<compile_context>
chip_gen: v7x
topology: tpu7x:2x2x1
jax: 0.10.2.dev20260603
libtpu: 0.0.44.dev20260713+nightly
codegen_flags: <defaults>
</compile_context>

<pallas_src>
import functools

import jax
import jax.numpy as jnp
from jax import lax
from jax.experimental import pallas as pl
from jax.experimental.pallas import tpu as pltpu
from jax.experimental.pallas import tpu_sc as plsc

_N_NODES = 10000
_N_EDGES = 320000
_N_GRAPHS = 64
_C = 128
_NUM_GAUSS = 600
_CUTOFF = 5.0
_AVG_DEGREE = 32.0
_AVG_NUM_NODES = 156.25

_NW = 32
_EPW = _N_EDGES // _NW
_A_CH = 2000
_A_NCH = _EPW // _A_CH
_HALVES = 2
_EH = _N_EDGES // _HALVES
_EPW_S = _EH // _NW
_S_CH = 40
_S_NCH = _EPW_S // _S_CH
_ROWS_PER_TILE = _N_NODES // 16

_TE = 8000
_NT = _N_EDGES // _TE
_EMB_PAD = 96

_DELTA = float(_CUTOFF) / (_NUM_GAUSS - 1)
_COEFF = -0.5 / (2.0 * _DELTA) ** 2
_LOG2E = 1.4426950408889634
_CENTER = 0.5 * _CUTOFF


_KC = float(_COEFF * _LOG2E)


def _rbf_offsets():
    import numpy as np
    o = np.arange(_NUM_GAUSS, dtype=np.float64) * _DELTA
    return o.astype(np.float32).reshape(_NUM_GAUSS, 1)


def _sc_geom_body(posx_hbm, posy_hbm, posz_hbm, src_hbm, dst_hbm, an_hbm,
                  d2_hbm, ansrc_hbm,
                  posx_v, posy_v, posz_v, an_v, sidx_v, didx_v, d2_v, ansrc_v):
    cid = lax.axis_index("c")
    sid = lax.axis_index("s")
    wid = sid * 2 + cid
    base = wid * _EPW
    pltpu.sync_copy(posx_hbm, posx_v)
    pltpu.sync_copy(posy_hbm, posy_v)
    pltpu.sync_copy(posz_hbm, posz_v)
    pltpu.sync_copy(an_hbm, an_v)

    def chunk(c, carry):
        cb = base + c * _A_CH
        pltpu.sync_copy(src_hbm.at[pl.ds(cb, _A_CH)], sidx_v)
        pltpu.sync_copy(dst_hbm.at[pl.ds(cb, _A_CH)], didx_v)

        def body(i, carry2):
            for u in range(4):
                o = i * 64 + u * 16
                s = sidx_v[pl.ds(o, 16)]
                d = didx_v[pl.ds(o, 16)]
                dx = (plsc.load_gather(posx_v, [s])
                      - plsc.load_gather(posx_v, [d]))
                dy = (plsc.load_gather(posy_v, [s])
                      - plsc.load_gather(posy_v, [d]))
                dz = (plsc.load_gather(posz_v, [s])
                      - plsc.load_gather(posz_v, [d]))
                d2_v[pl.ds(o, 16)] = dx * dx + dy * dy + dz * dz
                ansrc_v[pl.ds(o, 16)] = plsc.load_gather(an_v, [s])
            return carry2

        lax.fori_loop(0, _A_CH // 64, body, 0)
        pltpu.sync_copy(d2_v, d2_hbm.at[pl.ds(cb, _A_CH)])
        pltpu.sync_copy(ansrc_v, ansrc_hbm.at[pl.ds(cb, _A_CH)])
        return carry

    lax.fori_loop(0, _A_NCH, chunk, 0)


def _sc_geom(posx, posy, posz, src, dst, an):
    mesh = plsc.VectorSubcoreMesh(core_axis_name="c", subcore_axis_name="s")
    fn = pl.kernel(
        _sc_geom_body,
        mesh=mesh,
        out_type=[
            jax.ShapeDtypeStruct((_N_EDGES,), jnp.float32),
            jax.ShapeDtypeStruct((_N_EDGES,), jnp.int32),
        ],
        scratch_types=[
            pltpu.VMEM((_N_NODES,), jnp.float32),
            pltpu.VMEM((_N_NODES,), jnp.float32),
            pltpu.VMEM((_N_NODES,), jnp.float32),
            pltpu.VMEM((_N_NODES,), jnp.int32),
            pltpu.VMEM((_A_CH,), jnp.int32),
            pltpu.VMEM((_A_CH,), jnp.int32),
            pltpu.VMEM((_A_CH,), jnp.float32),
            pltpu.VMEM((_A_CH,), jnp.int32),
        ],
        compiler_params=pltpu.CompilerParams(needs_layout_passes=False),
    )
    return fn(posx, posy, posz, src, dst, an)


def _tc_edge_body(d2_ref, ansrc_ref, poly_ref, emb_ref, w1_ref, b1_ref,
                  w2_ref, b2_ref, out_ref):
    d2 = d2_ref[0]
    dist = jnp.sqrt(d2 + 1e-8)
    ob = jnp.broadcast_to(poly_ref[...], (_NUM_GAUSS, _TE))
    dm = ob - dist
    rbf_t = jnp.exp2(dm * dm * _KC)
    h = lax.dot_general(rbf_t, w1_ref[...], (((0,), (0,)), ((), ())),
                        preferred_element_type=jnp.float32)
    h = jax.nn.silu(h + b1_ref[...])
    ef = jax.nn.silu(
        jnp.dot(h, w2_ref[...], preferred_element_type=jnp.float32)
        + b2_ref[...])
    an_row = ansrc_ref[0]
    ids = lax.broadcasted_iota(jnp.int32, (_EMB_PAD, _TE), 0)
    onehot_t = (ids == an_row).astype(jnp.float32)
    xsrc = lax.dot_general(onehot_t, emb_ref[...], (((0,), (0,)), ((), ())),
                           preferred_element_type=jnp.float32)
    out_ref[...] = ef * xsrc


def _tc_edge(d2, ansrc, poly, emb_pad, W1, b1, W2, b2):
    nt = d2.size // _TE
    d2_3d = d2.reshape(nt, 1, _TE)
    an_3d = ansrc.reshape(nt, 1, _TE)
    return pl.pallas_call(
        _tc_edge_body,
        grid=(nt,),
        in_specs=[
            pl.BlockSpec((1, 1, _TE), lambda i: (i, 0, 0)),
            pl.BlockSpec((1, 1, _TE), lambda i: (i, 0, 0)),
            pl.BlockSpec((_NUM_GAUSS, 1), lambda i: (0, 0)),
            pl.BlockSpec((_EMB_PAD, _C), lambda i: (0, 0)),
            pl.BlockSpec((_NUM_GAUSS, _C), lambda i: (0, 0)),
            pl.BlockSpec((1, _C), lambda i: (0, 0)),
            pl.BlockSpec((_C, _C), lambda i: (0, 0)),
            pl.BlockSpec((1, _C), lambda i: (0, 0)),
        ],
        out_specs=pl.BlockSpec((_TE, _C), lambda i: (i, 0)),
        out_shape=jax.ShapeDtypeStruct((d2.size, _C), jnp.float32),
        compiler_params=pltpu.CompilerParams(
            dimension_semantics=("arbitrary",)),
    )(d2_3d, an_3d, poly, emb_pad, W1, b1.reshape(1, _C), W2,
      b2.reshape(1, _C))


_NBUF = 4


def _sc_scatter_body(msg_hbm, dst_hbm, zeros_hbm, agg_hbm,
                     msg_0, idx_0, msg_1, idx_1, msg_2, idx_2, msg_3, idx_3,
                     agg_sp, sem_0, sem_1, sem_2, sem_3):
    cid = lax.axis_index("c")
    sid = lax.axis_index("s")
    wid = sid * 2 + cid
    base = wid * _EPW_S
    msgs = (msg_0, msg_1, msg_2, msg_3)
    idxs = (idx_0, idx_1, idx_2, idx_3)
    sems = (sem_0, sem_1, sem_2, sem_3)

    @pl.when(sid == 0)
    def _():
        pltpu.sync_copy(zeros_hbm, agg_sp)

    plsc.subcore_barrier()

    def start(c, b):
        cb = base + c * _S_CH
        pltpu.async_copy(dst_hbm.at[pl.ds(cb, _S_CH)], idxs[b], sems[b])
        pltpu.async_copy(msg_hbm.at[pl.ds(cb, _S_CH)], msgs[b], sems[b])

    def drain(c, b):
        cb = base + c * _S_CH
        pltpu.make_async_copy(
            dst_hbm.at[pl.ds(cb, _S_CH)], idxs[b], sems[b]).wait()
        pltpu.make_async_copy(
            msg_hbm.at[pl.ds(cb, _S_CH)], msgs[b], sems[b]).wait()

    for b in range(_NBUF - 1):
        start(b, b)

    def body(g, carry):
        c0 = _NBUF * g
        for b in range(_NBUF):
            c = c0 + b

            @pl.when(c + _NBUF - 1 < _S_NCH)
            def _():
                start(c + _NBUF - 1, (b + _NBUF - 1) % _NBUF)

            drain(c, b)
            pltpu.sync_copy(msgs[b], agg_sp.at[idxs[b]], add=True)
        return carry

    lax.fori_loop(0, _S_NCH // _NBUF, body, 0)
    for c in range(_S_NCH - _S_NCH % _NBUF, _S_NCH):
        drain(c, c % _NBUF)
        pltpu.sync_copy(msgs[c % _NBUF], agg_sp.at[idxs[c % _NBUF]], add=True)
    plsc.subcore_barrier()
    rb = sid * 624
    pltpu.sync_copy(agg_sp.at[pl.ds(rb, 624)],
                    agg_hbm.at[cid, pl.ds(rb, 624)])

    @pl.when(sid == 15)
    def _():
        pltpu.sync_copy(agg_sp.at[pl.ds(9984, 16)],
                        agg_hbm.at[cid, pl.ds(9984, 16)])


def _sc_scatter(msg, dst, zeros):
    mesh = plsc.VectorSubcoreMesh(core_axis_name="c", subcore_axis_name="s")
    fn = pl.kernel(
        _sc_scatter_body,
        mesh=mesh,
        out_type=jax.ShapeDtypeStruct((2, _N_NODES, _C), jnp.float32),
        scratch_types=(
            [pltpu.VMEM((_S_CH, _C), jnp.float32),
             pltpu.VMEM((_S_CH,), jnp.int32)] * _NBUF
            + [pltpu.VMEM_SHARED((_N_NODES, _C), jnp.float32)]
            + [pltpu.SemaphoreType.DMA] * _NBUF
        ),
    )
    return fn(msg, dst, zeros)


def _tc_final_body(agg_a_ref, agg_b_ref, an_ref, batch_ref, emb_ref,
                   wout_ref, out_ref):
    agg = (agg_a_ref[0:_N_NODES, :] + agg_a_ref[_N_NODES:2 * _N_NODES, :]
           + agg_b_ref[0:_N_NODES, :] + agg_b_ref[_N_NODES:2 * _N_NODES, :])
    an_row = an_ref[0]
    ids = lax.broadcasted_iota(jnp.int32, (_EMB_PAD, _N_NODES), 0)
    onehot_t = (ids == an_row).astype(jnp.float32)
    x = lax.dot_general(onehot_t, emb_ref[...], (((0,), (0,)), ((), ())),
                        preferred_element_type=jnp.float32)
    x = x + agg / _AVG_DEGREE
    s = jax.nn.silu(x) * wout_ref[...]
    node_e = jnp.sum(s, axis=1, keepdims=True)
    b_row = batch_ref[0]
    gids = lax.broadcasted_iota(jnp.int32, (_N_GRAPHS, _N_NODES), 0)
    gmask = (gids == b_row).astype(jnp.float32)
    e = lax.dot_general(gmask, node_e, (((1,), (0,)), ((), ())),
                        preferred_element_type=jnp.float32)
    out_ref[...] = e / _AVG_NUM_NODES


def _tc_final(agg_a, agg_b, an, batch, emb_pad, wout_row):
    return pl.pallas_call(
        _tc_final_body,
        out_shape=jax.ShapeDtypeStruct((_N_GRAPHS, 1), jnp.float32),
    )(agg_a, agg_b, an.reshape(1, _N_NODES), batch.reshape(1, _N_NODES),
      emb_pad, wout_row)


def kernel(atomic_numbers, pos, edge_index, batch, emb_table, W1, b1, W2, b2,
           W_out):
    an = atomic_numbers.astype(jnp.int32)
    src = edge_index[0].astype(jnp.int32)
    dst = edge_index[1].astype(jnp.int32)
    posx = pos[:, 0]
    posy = pos[:, 1]
    posz = pos[:, 2]
    emb_pad = jnp.concatenate(
        [emb_table, jnp.zeros((_EMB_PAD - emb_table.shape[0], _C),
                              jnp.float32)], axis=0)

    d2, ansrc = _sc_geom(posx, posy, posz, src, dst, an)
    zeros = jnp.zeros((_N_NODES, _C), jnp.float32)
    poly = jnp.asarray(_rbf_offsets())
    parts = []
    for hh in range(_HALVES):
        sl = slice(hh * _EH, (hh + 1) * _EH)
        msg = _tc_edge(d2[sl], ansrc[sl], poly, emb_pad, W1, b1, W2, b2)
        parts.append(_sc_scatter(msg, dst[sl], zeros))
    energy = _tc_final(parts[0].reshape(2 * _N_NODES, _C),
                       parts[1].reshape(2 * _N_NODES, _C),
                       an, batch.astype(jnp.int32), emb_pad,
                       W_out.reshape(1, _C))
    return energy.reshape(_N_GRAPHS)

# --- scband reference (transcript-rebuilt; emitter-appended) ---
"""Pipeline reference for scband-est-eqv2-18588618457696 (READ-ONLY COPY).

The authoritative reference and input builder live on the scoring server;
editing this copy changes nothing except your own understanding.
"""

import jax, jax.numpy as jnp
import numpy as np

N_NODES = 10000
N_EDGES = 320000
N_GRAPHS = 64
C = 128
NUM_GAUSS = 600
CUTOFF = 5.0
AVG_DEGREE = 32.0
AVG_NUM_NODES = 156.25


def setup_inputs(seed: int = 0) -> dict:
    key = jax.random.key(seed)
    ks = jax.random.split(key, 12)
    atomic_numbers = jax.random.randint(ks[0], (N_NODES,), 0, 90, dtype=jnp.int64) if jax.config.jax_enable_x64 else jax.random.randint(ks[0], (N_NODES,), 0, 90).astype(jnp.int32)
    pos = jax.random.normal(ks[1], (N_NODES, 3), dtype=jnp.float32)
    edge_index = jax.random.randint(ks[2], (2, N_EDGES), 0, N_NODES)
    batch = jnp.sort(jax.random.randint(ks[3], (N_NODES,), 0, N_GRAPHS))
    emb_table = jax.random.normal(ks[4], (90, C), dtype=jnp.float32) * 0.02
    W1 = jax.random.normal(ks[5], (NUM_GAUSS, C), dtype=jnp.float32) / np.sqrt(NUM_GAUSS)
    b1 = jnp.zeros((C,), dtype=jnp.float32)
    W2 = jax.random.normal(ks[6], (C, C), dtype=jnp.float32) / np.sqrt(C)
    b2 = jnp.zeros((C,), dtype=jnp.float32)
    W_out = jax.random.normal(ks[7], (C, 1), dtype=jnp.float32) / np.sqrt(C)
    return {
        'atomic_numbers': atomic_numbers,
        'pos': pos,
        'edge_index': edge_index,
        'batch': batch,
        'emb_table': emb_table,
        'W1': W1, 'b1': b1, 'W2': W2, 'b2': b2, 'W_out': W_out,
    }


def _gaussian_smearing(dist):
    offset = jnp.linspace(0.0, CUTOFF, NUM_GAUSS)
    coeff = -0.5 / (2.0 * (offset[1] - offset[0])) ** 2
    d = dist[:, None] - offset[None, :]
    return jnp.exp(coeff * d * d)


def reference(atomic_numbers, pos, edge_index, batch, emb_table, W1, b1, W2, b2, W_out):
    src = edge_index[0]
    dst = edge_index[1]
    # edge distances
    dvec = pos[src] - pos[dst]
    dist = jnp.sqrt(jnp.sum(dvec * dvec, axis=-1) + 1e-8)
    # radial basis (GaussianSmearing(0, cutoff, 600, 2.0))
    rbf = _gaussian_smearing(dist)
    # edge MLP (edge_channels_list = [600, 128, 128])
    h = jax.nn.silu(rbf @ W1 + b1)
    edge_feat = jax.nn.silu(h @ W2 + b2)
    # node sphere embedding (l=0 component)
    x = jnp.take(emb_table, atomic_numbers, axis=0)
    # edge-degree style message passing: gather source feats, modulate, scatter-add to dst
    msg = edge_feat * jnp.take(x, src, axis=0)
    agg = jax.ops.segment_sum(msg, dst, num_segments=N_NODES) / AVG_DEGREE
    x = x + agg
    # energy head: per-node scalar, pooled per graph
    node_e = (jax.nn.silu(x) @ W_out)[:, 0]
    energy = jax.ops.segment_sum(node_e, batch, num_segments=N_GRAPHS) / AVG_NUM_NODES
    return energy

if __name__ == "__main__":
    import jax
    _d = setup_inputs()
    print(jax.jit(kernel)(*tuple(_d.values())))

</pallas_src>

<mosaic_0001>
#map = affine_map<(d0, d1) -> (0)>
module attributes {stable_mosaic.version = 14 : i64} {
  func.func @_sc_geom_body(%arg0: i32, %arg1: i32, %arg2: memref<10000xf32, #tpu.memory_space<hbm>>, %arg3: memref<10000xf32, #tpu.memory_space<hbm>>, %arg4: memref<10000xf32, #tpu.memory_space<hbm>>, %arg5: memref<320000xi32, #tpu.memory_space<hbm>>, %arg6: memref<320000xi32, #tpu.memory_space<hbm>>, %arg7: memref<10000xi32, #tpu.memory_space<hbm>>, %arg8: memref<320000xf32, #tpu.memory_space<hbm>>, %arg9: memref<320000xi32, #tpu.memory_space<hbm>>, %arg10: memref<10000xf32, #tpu.memory_space<vmem>>, %arg11: memref<10000xf32, #tpu.memory_space<vmem>>, %arg12: memref<10000xf32, #tpu.memory_space<vmem>>, %arg13: memref<10000xi32, #tpu.memory_space<vmem>>, %arg14: memref<2000xi32, #tpu.memory_space<vmem>>, %arg15: memref<2000xi32, #tpu.memory_space<vmem>>, %arg16: memref<2000xf32, #tpu.memory_space<vmem>>, %arg17: memref<2000xi32, #tpu.memory_space<vmem>>) attributes {dimension_semantics = [#tpu.dimension_semantics<core_parallel>, #tpu.dimension_semantics<subcore_parallel>], iteration_bounds = array<i64: 2, 16>, scalar_prefetch = 0 : i64, scratch_operands = 8 : i64, tpu.core_type = #tpu.core_type<sc_vector_subcore>, window_params = [{transform_indices = #map}, {transform_indices = #map}, {transform_indices = #map}, {transform_indices = #map}, {transform_indices = #map}, {transform_indices = #map}, {transform_indices = #map}, {transform_indices = #map}]} {
    %mul3A = arith.constant 2 : i32
    %mul3A_0 = arith.muli %arg1, %mul3A : i32
    %add3A = arith.addi %mul3A_0, %arg0 : i32
    %mul3A_1 = arith.constant 10000 : i32
    %mul3A_2 = arith.muli %add3A, %mul3A_1 : i32
    "tpu.region"() ({
      %run_scoped3A = tpu.sem_alloc : memref<!tpu.dma_semaphore, #tpu.memory_space<semaphore_mem>>
      tpu.enqueue_dma source(%arg2 : memref<10000xf32, #tpu.memory_space<hbm>>) target(%arg10 : memref<10000xf32, #tpu.memory_space<vmem>>) target_semaphore(%run_scoped3A : memref<!tpu.dma_semaphore, #tpu.memory_space<semaphore_mem>>)
      tpu.wait_dma2 semaphore(%run_scoped3A : memref<!tpu.dma_semaphore, #tpu.memory_space<semaphore_mem>>) src(%arg2 : memref<10000xf32, #tpu.memory_space<hbm>>) dst(%arg10 : memref<10000xf32, #tpu.memory_space<vmem>>)
      tpu.yield
    }) : () -> ()
    "tpu.region"() ({
      %run_scoped3A = tpu.sem_alloc : memref<!tpu.dma_semaphore, #tpu.memory_space<semaphore_mem>>
      tpu.enqueue_dma source(%arg3 : memref<10000xf32, #tpu.memory_space<hbm>>) target(%arg11 : memref<10000xf32, #tpu.memory_space<vmem>>) target_semaphore(%run_scoped3A : memref<!tpu.dma_semaphore, #tpu.memory_space<semaphore_mem>>)
      tpu.wait_dma2 semaphore(%run_scoped3A : memref<!tpu.dma_semaphore, #tpu.memory_space<semaphore_mem>>) src(%arg3 : memref<10000xf32, #tpu.memory_space<hbm>>) dst(%arg11 : memref<10000xf32, #tpu.memory_space<vmem>>)
      tpu.yield
    }) : () -> ()
    "tpu.region"() ({
      %run_scoped3A = tpu.sem_alloc : memref<!tpu.dma_semaphore, #tpu.memory_space<semaphore_mem>>
      tpu.enqueue_dma source(%arg4 : memref<10000xf32, #tpu.memory_space<hbm>>) target(%arg12 : memref<10000xf32, #tpu.memory_space<vmem>>) target_semaphore(%run_scoped3A : memref<!tpu.dma_semaphore, #tpu.memory_space<semaphore_mem>>)
      tpu.wait_dma2 semaphore(%run_scoped3A : memref<!tpu.dma_semaphore, #tpu.memory_space<semaphore_mem>>) src(%arg4 : memref<10000xf32, #tpu.memory_space<hbm>>) dst(%arg12 : memref<10000xf32, #tpu.memory_space<vmem>>)
      tpu.yield
    }) : () -> ()
    "tpu.region"() ({
      %run_scoped3A = tpu.sem_alloc : memref<!tpu.dma_semaphore, #tpu.memory_space<semaphore_mem>>
      tpu.enqueue_dma source(%arg7 : memref<10000xi32, #tpu.memory_space<hbm>>) target(%arg13 : memref<10000xi32, #tpu.memory_space<vmem>>) target_semaphore(%run_scoped3A : memref<!tpu.dma_semaphore, #tpu.memory_space<semaphore_mem>>)
      tpu.wait_dma2 semaphore(%run_scoped3A : memref<!tpu.dma_semaphore, #tpu.memory_space<semaphore_mem>>) src(%arg7 : memref<10000xi32, #tpu.memory_space<hbm>>) dst(%arg13 : memref<10000xi32, #tpu.memory_space<vmem>>)
      tpu.yield
    }) : () -> ()
    %scan3A = arith.constant 0 : i32
    %scan3A_3 = arith.constant 0 : i32
    %scan3A_4 = arith.constant 5 : i32
    %scan3A_5 = arith.addi %scan3A_3, %scan3A_4 : i32
    %scan3A_6 = arith.constant 1 : i32
    scf.for %scan3A_8 = %scan3A_3 to %scan3A_5 step %scan3A_6  : i32 {
      %mul3A_9 = arith.constant 2000 : i32
      %mul3A_10 = arith.muli %scan3A_8, %mul3A_9 : i32
      %add3A_11 = arith.addi %mul3A_2, %mul3A_10 : i32
      "tpu.region"() ({
        %run_scoped3A = tpu.sem_alloc : memref<!tpu.dma_semaphore, #tpu.memory_space<semaphore_mem>>
        %dma_start3A = tpu.memref_slice %arg5[%add3A_11] : memref<320000xi32, #tpu.memory_space<hbm>> -> memref<2000xi32, #tpu.memory_space<hbm>>
        %dma_start3A_18 = tpu.memref_slice %arg5[%add3A_11] : memref<320000xi32, #tpu.memory_space<hbm>> -> memref<2000xi32, #tpu.memory_space<hbm>>
        tpu.enqueue_dma source(%dma_start3A_18 : memref<2000xi32, #tpu.memory_space<hbm>>) target(%arg14 : memref<2000xi32, #tpu.memory_space<vmem>>) target_semaphore(%run_scoped3A : memref<!tpu.dma_semaphore, #tpu.memory_space<semaphore_mem>>)
        %dma_wait3A = tpu.memref_slice %arg5[%add3A_11] : memref<320000xi32, #tpu.memory_space<hbm>> -> memref<2000xi32, #tpu.memory_space<hbm>>
        %dma_wait3A_19 = tpu.memref_slice %arg5[%add3A_11] : memref<320000xi32, #tpu.memory_space<hbm>> -> memref<2000xi32, #tpu.memory_space<hbm>>
        tpu.wait_dma2 semaphore(%run_scoped3A : memref<!tpu.dma_semaphore, #tpu.memory_space<semaphore_mem>>) src(%dma_wait3A_19 : memref<2000xi32, #tpu.memory_space<hbm>>) dst(%arg14 : memref<2000xi32, #tpu.memory_space<vmem>>)
        tpu.yield
      }) : () -> ()
      "tpu.region"() ({
        %run_scoped3A = tpu.sem_alloc : memref<!tpu.dma_semaphore, #tpu.memory_space<semaphore_mem>>
        %dma_start3A = tpu.memref_slice %arg6[%add3A_11] : memref<320000xi32, #tpu.memory_space<hbm>> -> memref<2000xi32, #tpu.memory_space<hbm>>
        %dma_start3A_18 = tpu.memref_slice %arg6[%add3A_11] : memref<320000xi32, #tpu.memory_space<hbm>> -> memref<2000xi32, #tpu.memory_space<hbm>>
        tpu.enqueue_dma source(%dma_start3A_18 : memref<2000xi32, #tpu.memory_space<hbm>>) target(%arg15 : memref<2000xi32, #tpu.memory_space<vmem>>) target_semaphore(%run_scoped3A : memref<!tpu.dma_semaphore, #tpu.memory_space<semaphore_mem>>)
        %dma_wait3A = tpu.memref_slice %arg6[%add3A_11] : memref<320000xi32, #tpu.memory_space<hbm>> -> memref<2000xi32, #tpu.memory_space<hbm>>
        %dma_wait3A_19 = tpu.memref_slice %arg6[%add3A_11] : memref<320000xi32, #tpu.memory_space<hbm>> -> memref<2000xi32, #tpu.memory_space<hbm>>
        tpu.wait_dma2 semaphore(%run_scoped3A : memref<!tpu.dma_semaphore, #tpu.memory_space<semaphore_mem>>) src(%dma_wait3A_19 : memref<2000xi32, #tpu.memory_space<hbm>>) dst(%arg15 : memref<2000xi32, #tpu.memory_space<vmem>>)
        tpu.yield
      }) : () -> ()
      %scan3A_12 = arith.constant 0 : i32
      %scan3A_13 = arith.constant 0 : i32
      %scan3A_14 = arith.constant 31 : i32
      %scan3A_15 = arith.addi %scan3A_13, %scan3A_14 : i32
      %scan3A_16 = arith.constant 1 : i32
      scf.for %scan3A_18 = %scan3A_13 to %scan3A_15 step %scan3A_16  : i32 {
        %mul3A_19 = arith.constant 64 : i32
        %mul3A_20 = arith.muli %scan3A_18, %mul3A_19 : i32
        %add3A_21 = arith.constant 0 : i32
        %add3A_22 = arith.addi %mul3A_20, %add3A_21 : i32
        %get3A = arith.index_cast %add3A_22 : i32 to index
        %get3A_23 = tpu.vector_load %arg14[%get3A] {strides = array<i32>} : memref<2000xi32, #tpu.memory_space<vmem>>, vector<16xi32>,
        %get3A_24 = arith.index_cast %add3A_22 : i32 to index
        %get3A_25 = tpu.vector_load %arg15[%get3A_24] {strides = array<i32>} : memref<2000xi32, #tpu.memory_space<vmem>>, vector<16xi32>,
        %gather3A = tpu.vector_load_idx %arg10[%get3A_23] : memref<10000xf32, #tpu.memory_space<vmem>>[vector<16xi32>], vector<16xf32>,
        %gather3A_26 = tpu.vector_load_idx %arg10[%get3A_25] : memref<10000xf32, #tpu.memory_space<vmem>>[vector<16xi32>], vector<16xf32>,
        %sub3A = arith.subf %gather3A, %gather3A_26 : vector<16xf32>
        %gather3A_27 = tpu.vector_load_idx %arg11[%get3A_23] : memref<10000xf32, #tpu.memory_space<vmem>>[vector<16xi32>], vector<16xf32>,
        %gather3A_28 = tpu.vector_load_idx %arg11[%get3A_25] : memref<10000xf32, #tpu.memory_space<vmem>>[vector<16xi32>], vector<16xf32>,
        %sub3A_29 = arith.subf %gather3A_27, %gather3A_28 : vector<16xf32>
        %gather3A_30 = tpu.vector_load_idx %arg12[%get3A_23] : memref<10000xf32, #tpu.memory_space<vmem>>[vector<16xi32>], vector<16xf32>,
        %gather3A_31 = tpu.vector_load_idx %arg12[%get3A_25] : memref<10000xf32, #tpu.memory_space<vmem>>[vector<16xi32>], vector<16xf32>,
        %sub3A_32 = arith.subf %gather3A_30, %gather3A_31 : vector<16xf32>
        %mul3A_33 = arith.mulf %sub3A, %sub3A : vector<16xf32>
        %mul3A_34 = arith.mulf %sub3A_29, %sub3A_29 : vector<16xf32>
        %add3A_35 = arith.addf %mul3A_33, %mul3A_34 : vector<16xf32>
        %mul3A_36 = arith.mulf %sub3A_32, %sub3A_32 : vector<16xf32>
        %add3A_37 = arith.addf %add3A_35, %mul3A_36 : vector<16xf32>
        %swap3A = arith.index_cast %add3A_22 : i32 to index
        %swap3A_38 = tpu.vector_load %arg16[%swap3A] {strides = array<i32>} : memref<2000xf32, #tpu.memory_space<vmem>>, vector<16xf32>,
        tpu.vector_store %arg16[%swap3A], %add3A_37 {strides = array<i32>} : memref<2000xf32, #tpu.memory_space<vmem>>, vector<16xf32>,
        %gather3A_39 = tpu.vector_load_idx %arg13[%get3A_23] : memref<10000xi32, #tpu.memory_space<vmem>>[vector<16xi32>], vector<16xi32>,
        %swap3A_40 = arith.index_cast %add3A_22 : i32 to index
        %swap3A_41 = tpu.vector_load %arg17[%swap3A_40] {strides = array<i32>} : memref<2000xi32, #tpu.memory_space<vmem>>, vector<16xi32>,
        tpu.vector_store %arg17[%swap3A_40], %gather3A_39 {strides = array<i32>} : memref<2000xi32, #tpu.memory_space<vmem>>, vector<16xi32>,
        %mul3A_42 = arith.constant 64 : i32
        %mul3A_43 = arith.muli %scan3A_18, %mul3A_42 : i32
        %add3A_44 = arith.constant 16 : i32
        %add3A_45 = arith.addi %mul3A_43, %add3A_44 : i32
        %get3A_46 = arith.index_cast %add3A_45 : i32 to index
        %get3A_47 = tpu.vector_load %arg14[%get3A_46] {strides = array<i32>} : memref<2000xi32, #tpu.memory_space<vmem>>, vector<16xi32>,
        %get3A_48 = arith.index_cast %add3A_45 : i32 to index
        %get3A_49 = tpu.vector_load %arg15[%get3A_48] {strides = array<i32>} : memref<2000xi32, #tpu.memory_space<vmem>>, vector<16xi32>,
        %gather3A_50 = tpu.vector_load_idx %arg10[%get3A_47] : memref<10000xf32, #tpu.memory_space<vmem>>[vector<16xi32>], vector<16xf32>,
        %gather3A_51 = tpu.vector_load_idx %arg10[%get3A_49] : memref<10000xf32, #tpu.memory_space<vmem>>[vector<16xi32>], vector<16xf32>,
        %sub3A_52 = arith.subf %gather3A_50, %gather3A_51 : vector<16xf32>
        %gather3A_53 = tpu.vector_load_idx %arg11[%get3A_47] : memref<10000xf32, #tpu.memory_space<vmem>>[vector<16xi32>], vector<16xf32>,
        %gather3A_54 = tpu.vector_load_idx %arg11[%get3A_49] : memref<10000xf32, #tpu.memory_space<vmem>>[vector<16xi32>], vector<16xf32>,
        %sub3A_55 = arith.subf %gather3A_53, %gather3A_54 : vector<16xf32>
        %gather3A_56 = tpu.vector_load_idx %arg12[%get3A_47] : memref<10000xf32, #tpu.memory_space<vmem>>[vector<16xi32>], vector<16xf32>,
        %gather3A_57 = tpu.vector_load_idx %arg12[%get3A_49] : memref<10000xf32, #tpu.memory_space<vmem>>[vector<16xi32>], vector<16xf32>,
        %sub3A_58 = arith.subf %gather3A_56, %gather3A_57 : vector<16xf32>
        %mul3A_59 = arith.mulf %sub3A_52, %sub3A_52 : vector<16xf32>
        %mul3A_60 = arith.mulf %sub3A_55, %sub3A_55 : vector<16xf32>
        %add3A_61 = arith.addf %mul3A_59, %mul3A_60 : vector<16xf32>
        %mul3A_62 = arith.mulf %sub3A_58, %sub3A_58 : vector<16xf32>
        %add3A_63 = arith.addf %add3A_61, %mul3A_62 : vector<16xf32>
        %swap3A_64 = arith.index_cast %add3A_45 : i32 to index
        %swap3A_65 = tpu.vector_load %arg16[%swap3A_64] {strides = array<i32>} : memref<2000xf32, #tpu.memory_space<vmem>>, vector<16xf32>,
        tpu.vector_store %arg16[%swap3A_64], %add3A_63 {strides = array<i32>} : memref<2000xf32, #tpu.memory_space<vmem>>, vector<16xf32>,
        %gather3A_66 = tpu.vector_load_idx %arg13[%get3A_47] : memref<10000xi32, #tpu.memory_space<vmem>>[vector<16xi32>], vector<16xi32>,
        %swap3A_67 = arith.index_cast %add3A_45 : i32 to index
        %swap3A_68 = tpu.vector_load %arg17[%swap3A_67] {strides = array<i32>} : memref<2000xi32, #tpu.memory_space<vmem>>, vector<16xi32>,
        tpu.vector_store %arg17[%swap3A_67], %gather3A_66 {strides = array<i32>} : memref<2000xi32, #tpu.memory_space<vmem>>, vector<16xi32>,
        %mul3A_69 = arith.constant 64 : i32
        %mul3A_70 = arith.muli %scan3A_18, %mul3A_69 : i32
        %add3A_71 = arith.constant 32 : i32
        %add3A_72 = arith.addi %mul3A_70, %add3A_71 : i32
        %get3A_73 = arith.index_cast %add3A_72 : i32 to index
        %get3A_74 = tpu.vector_load %arg14[%get3A_73] {strides = array<i32>} : memref<2000xi32, #tpu.memory_space<vmem>>, vector<16xi32>,
        %get3A_75 = arith.index_cast %add3A_72 : i32 to index
        %get3A_76 = tpu.vector_load %arg15[%get3A_75] {strides = array<i32>} : memref<2000xi32, #tpu.memory_space<vmem>>, vector<16xi32>,
        %gather3A_77 = tpu.vector_load_idx %arg10[%get3A_74] : memref<10000xf32, #tpu.memory_space<vmem>>[vector<16xi32>], vector<16xf32>,
        %gather3A_78 = tpu.vector_load_idx %arg10[%get3A_76] : memref<10000xf32, #tpu.memory_space<vmem>>[vector<16xi32>], vector<16xf32>,
        %sub3A_79 = arith.subf %gather3A_77, %gather3A_78 : vector<16xf32>
        %gather3A_80 = tpu.vector_load_idx %arg11[%get3A_74] : memref<10000xf32, #tpu.memory_space<vmem>>[vector<16xi32>], vector<16xf32>,
        %gather3A_81 = tpu.vector_load_idx %arg11[%get3A_76] : memref<10000xf32, #tpu.memory_space<vmem>>[vector<16xi32>], vector<16xf32>,
        %sub3A_82 = arith.subf %gather3A_80, %gather3A_81 : vector<16xf32>
        %gather3A_83 = tpu.vector_load_idx %arg12[%get3A_74] : memref<10000xf32, #tpu.memory_space<vmem>>[vector<16xi32>], vector<16xf32>,
        %gather3A_84 = tpu.vector_load_idx %arg12[%get3A_76] : memref<10000xf32, #tpu.memory_space<vmem>>[vector<16xi32>], vector<16xf32>,
        %sub3A_85 = arith.subf %gather3A_83, %gather3A_84 : vector<16xf32>
        %mul3A_86 = arith.mulf %sub3A_79, %sub3A_79 : vector<16xf32>
        %mul3A_87 = arith.mulf %sub3A_82, %sub3A_82 : vector<16xf32>
        %add3A_88 = arith.addf %mul3A_86, %mul3A_87 : vector<16xf32>
        %mul3A_89 = arith.mulf %sub3A_85, %sub3A_85 : vector<16xf32>
        %add3A_90 = arith.addf %add3A_88, %mul3A_89 : vector<16xf32>
        %swap3A_91 = arith.index_cast %add3A_72 : i32 to index
        %swap3A_92 = tpu.vector_load %arg16[%swap3A_91] {strides = array<i32>} : memref<2000xf32, #tpu.memory_space<vmem>>, vector<16xf32>,
        tpu.vector_store %arg16[%swap3A_91], %add3A_90 {strides = array<i32>} : memref<2000xf32, #tpu.memory_space<vmem>>, vector<16xf32>,
        %gather3A_93 = tpu.vector_load_idx %arg13[%get3A_74] : memref<10000xi32, #tpu.memory_space<vmem>>[vector<16xi32>], vector<16xi32>,
        %swap3A_94 = arith.index_cast %add3A_72 : i32 to index
        %swap3A_95 = tpu.vector_load %arg17[%swap3A_94] {strides = array<i32>} : memref<2000xi32, #tpu.memory_space<vmem>>, vector<16xi32>,
        tpu.vector_store %arg17[%swap3A_94], %gather3A_93 {strides = array<i32>} : memref<2000xi32, #tpu.memory_space<vmem>>, vector<16xi32>,
        %mul3A_96 = arith.constant 64 : i32
        %mul3A_97 = arith.muli %scan3A_18, %mul3A_96 : i32
        %add3A_98 = arith.constant 48 : i32
        %add3A_99 = arith.addi %mul3A_97, %add3A_98 : i32
        %get3A_100 = arith.index_cast %add3A_99 : i32 to index
        %get3A_101 = tpu.vector_load %arg14[%get3A_100] {strides = array<i32>} : memref<2000xi32, #tpu.memory_space<vmem>>, vector<16xi32>,
        %get3A_102 = arith.index_cast %add3A_99 : i32 to index
        %get3A_103 = tpu.vector_load %arg15[%get3A_102] {strides = array<i32>} : memref<2000xi32, #tpu.memory_space<vmem>>, vector<16xi32>,
        %gather3A_104 = tpu.vector_load_idx %arg10[%get3A_101] : memref<10000xf32, #tpu.memory_space<vmem>>[vector<16xi32>], vector<16xf32>,
        %gather3A_105 = tpu.vector_load_idx %arg10[%get3A_103] : memref<10000xf32, #tpu.memory_space<vmem>>[vector<16xi32>], vector<16xf32>,
        %sub3A_106 = arith.subf %gather3A_104, %gather3A_105 : vector<16xf32>
        %gather3A_107 = tpu.vector_load_idx %arg11[%get3A_101] : memref<10000xf32, #tpu.memory_space<vmem>>[vector<16xi32>], vector<16xf32>,
        %gather3A_108 = tpu.vector_load_idx %arg11[%get3A_103] : memref<10000xf32, #tpu.memory_space<vmem>>[vector<16xi32>], vector<16xf32>,
        %sub3A_109 = arith.subf %gather3A_107, %gather3A_108 : vector<16xf32>
        %gather3A_110 = tpu.vector_load_idx %arg12[%get3A_101] : memref<10000xf32, #tpu.memory_space<vmem>>[vector<16xi32>], vector<16xf32>,
        %gather3A_111 = tpu.vector_load_idx %arg12[%get3A_103] : memref<10000xf32, #tpu.memory_space<vmem>>[vector<16xi32>], vector<16xf32>,
        %sub3A_112 = arith.subf %gather3A_110, %gather3A_111 : vector<16xf32>
        %mul3A_113 = arith.mulf %sub3A_106, %sub3A_106 : vector<16xf32>
        %mul3A_114 = arith.mulf %sub3A_109, %sub3A_109 : vector<16xf32>
        %add3A_115 = arith.addf %mul3A_113, %mul3A_114 : vector<16xf32>
        %mul3A_116 = arith.mulf %sub3A_112, %sub3A_112 : vector<16xf32>
        %add3A_117 = arith.addf %add3A_115, %mul3A_116 : vector<16xf32>
        %swap3A_118 = arith.index_cast %add3A_99 : i32 to index
        %swap3A_119 = tpu.vector_load %arg16[%swap3A_118] {strides = array<i32>} : memref<2000xf32, #tpu.memory_space<vmem>>, vector<16xf32>,
        tpu.vector_store %arg16[%swap3A_118], %add3A_117 {strides = array<i32>} : memref<2000xf32, #tpu.memory_space<vmem>>, vector<16xf32>,
        %gather3A_120 = tpu.vector_load_idx %arg13[%get3A_101] : memref<10000xi32, #tpu.memory_space<vmem>>[vector<16xi32>], vector<16xi32>,
        %swap3A_121 = arith.index_cast %add3A_99 : i32 to index
        %swap3A_122 = tpu.vector_load %arg17[%swap3A_121] {strides = array<i32>} : memref<2000xi32, #tpu.memory_space<vmem>>, vector<16xi32>,
        tpu.vector_store %arg17[%swap3A_121], %gather3A_120 {strides = array<i32>} : memref<2000xi32, #tpu.memory_space<vmem>>, vector<16xi32>,
      }
      %scan3A_17 = arith.constant 31 : i32
      "tpu.region"() ({
        %run_scoped3A = tpu.sem_alloc : memref<!tpu.dma_semaphore, #tpu.memory_space<semaphore_mem>>
        %dma_start3A = tpu.memref_slice %arg8[%add3A_11] : memref<320000xf32, #tpu.memory_space<hbm>> -> memref<2000xf32, #tpu.memory_space<hbm>>
        %dma_start3A_18 = tpu.memref_slice %arg8[%add3A_11] : memref<320000xf32, #tpu.memory_space<hbm>> -> memref<2000xf32, #tpu.memory_space<hbm>>
        tpu.enqueue_dma source(%arg16 : memref<2000xf32, #tpu.memory_space<vmem>>) target(%dma_start3A_18 : memref<2000xf32, #tpu.memory_space<hbm>>) target_semaphore(%run_scoped3A : memref<!tpu.dma_semaphore, #tpu.memory_space<semaphore_mem>>)
        %dma_wait3A = tpu.memref_slice %arg8[%add3A_11] : memref<320000xf32, #tpu.memory_space<hbm>> -> memref<2000xf32, #tpu.memory_space<hbm>>
        %dma_wait3A_19 = tpu.memref_slice %arg8[%add3A_11] : memref<320000xf32, #tpu.memory_space<hbm>> -> memref<2000xf32, #tpu.memory_space<hbm>>
        tpu.wait_dma2 semaphore(%run_scoped3A : memref<!tpu.dma_semaphore, #tpu.memory_space<semaphore_mem>>) src(%arg16 : memref<2000xf32, #tpu.memory_space<vmem>>) dst(%dma_wait3A_19 : memref<2000xf32, #tpu.memory_space<hbm>>)
        tpu.yield
      }) : () -> ()
      "tpu.region"() ({
        %run_scoped3A = tpu.sem_alloc : memref<!tpu.dma_semaphore, #tpu.memory_space<semaphore_mem>>
        %dma_start3A = tpu.memref_slice %arg9[%add3A_11] : memref<320000xi32, #tpu.memory_space<hbm>> -> memref<2000xi32, #tpu.memory_space<hbm>>
        %dma_start3A_18 = tpu.memref_slice %arg9[%add3A_11] : memref<320000xi32, #tpu.memory_space<hbm>> -> memref<2000xi32, #tpu.memory_space<hbm>>
        tpu.enqueue_dma source(%arg17 : memref<2000xi32, #tpu.memory_space<vmem>>) target(%dma_start3A_18 : memref<2000xi32, #tpu.memory_space<hbm>>) target_semaphore(%run_scoped3A : memref<!tpu.dma_semaphore, #tpu.memory_space<semaphore_mem>>)
        %dma_wait3A = tpu.memref_slice %arg9[%add3A_11] : memref<320000xi32, #tpu.memory_space<hbm>> -> memref<2000xi32, #tpu.memory_space<hbm>>
        %dma_wait3A_19 = tpu.memref_slice %arg9[%add3A_11] : memref<320000xi32, #tpu.memory_space<hbm>> -> memref<2000xi32, #tpu.memory_space<hbm>>
        tpu.wait_dma2 semaphore(%run_scoped3A : memref<!tpu.dma_semaphore, #tpu.memory_space<semaphore_mem>>) src(%arg17 : memref<2000xi32, #tpu.memory_space<vmem>>) dst(%dma_wait3A_19 : memref<2000xi32, #tpu.memory_space<hbm>>)
        tpu.yield
      }) : () -> ()
    }
    %scan3A_7 = arith.constant 5 : i32
    return
  }
}

#map = affine_map<(d0, d1) -> (0, 0)>
#map1 = affine_map<(d0, d1) -> (0)>
#map2 = affine_map<(d0, d1) -> (0, 0, 0)>
module attributes {stable_mosaic.version = 14 : i64} {
  func.func @_sc_scatter_body(%arg0: i32, %arg1: i32, %arg2: memref<160000x128xf32, #tpu.memory_space<hbm>>, %arg3: memref<160000xi32, #tpu.memory_space<hbm>>, %arg4: memref<10000x128xf32, #tpu.memory_space<hbm>>, %arg5: memref<2x10000x128xf32, #tpu.memory_space<hbm>>, %arg6: memref<40x128xf32, #tpu.memory_space<vmem>>, %arg7: memref<40xi32, #tpu.memory_space<vmem>>, %arg8: memref<40x128xf32, #tpu.memory_space<vmem>>, %arg9: memref<40xi32, #tpu.memory_space<vmem>>, %arg10: memref<40x128xf32, #tpu.memory_space<vmem>>, %arg11: memref<40xi32, #tpu.memory_space<vmem>>, %arg12: memref<40x128xf32, #tpu.memory_space<vmem>>, %arg13: memref<40xi32, #tpu.memory_space<vmem>>, %arg14: memref<10000x128xf32, #tpu.memory_space<vmem_shared>>, %arg15: memref<!tpu.dma_semaphore, #tpu.memory_space<semaphore_mem>>, %arg16: memref<!tpu.dma_semaphore, #tpu.memory_space<semaphore_mem>>, %arg17: memref<!tpu.dma_semaphore, #tpu.memory_space<semaphore_mem>>, %arg18: memref<!tpu.dma_semaphore, #tpu.memory_space<semaphore_mem>>) attributes {dimension_semantics = [#tpu.dimension_semantics<core_parallel>, #tpu.dimension_semantics<subcore_parallel>], iteration_bounds = array<i64: 2, 16>, scalar_prefetch = 0 : i64, scratch_operands = 13 : i64, tpu.core_type = #tpu.core_type<sc_vector_subcore>, window_params = [{transform_indices = #map}, {transform_indices = #map1}, {transform_indices = #map}, {transform_indices = #map2}]} {
    %mul3A = arith.constant 2 : i32
    %mul3A_0 = arith.muli %arg1, %mul3A : i32
    %add3A = arith.addi %mul3A_0, %arg0 : i32
    %mul3A_1 = arith.constant 5000 : i32
    %mul3A_2 = arith.muli %add3A, %mul3A_1 : i32
    %eq3A = arith.constant 0 : i32
    %eq3A_3 = arith.cmpi eq, %arg1, %eq3A : i32
    %convert_element_type3A = arith.extui %eq3A_3 : i1 to i32
    %cond3A = arith.constant 0 : i32
    %cond3A_4 = arith.cmpi ne, %convert_element_type3A, %cond3A : i32
    scf.if %cond3A_4 {
      "tpu.region"() ({
        %run_scoped3A = tpu.sem_alloc : memref<!tpu.dma_semaphore, #tpu.memory_space<semaphore_mem>>
        tpu.enqueue_dma source(%arg4 : memref<10000x128xf32, #tpu.memory_space<hbm>>) target(%arg14 : memref<10000x128xf32, #tpu.memory_space<vmem_shared>>) target_semaphore(%run_scoped3A : memref<!tpu.dma_semaphore, #tpu.memory_space<semaphore_mem>>)
        tpu.wait_dma2 semaphore(%run_scoped3A : memref<!tpu.dma_semaphore, #tpu.memory_space<semaphore_mem>>) src(%arg4 : memref<10000x128xf32, #tpu.memory_space<hbm>>) dst(%arg14 : memref<10000x128xf32, #tpu.memory_space<vmem_shared>>)
        tpu.yield
      }) : () -> ()
    } else {
    }
    %barrier3A = arith.constant 0 : index
    tpu.barrier barrier_id(%barrier3A)
    %add3A_5 = arith.constant 0 : i32
    %add3A_6 = arith.addi %mul3A_2, %add3A_5 : i32
    %dma_start3A = tpu.memref_slice %arg3[%add3A_6] : memref<160000xi32, #tpu.memory_space<hbm>> -> memref<40xi32, #tpu.memory_space<hbm>>
    %dma_start3A_7 = tpu.memref_slice %arg3[%add3A_6] : memref<160000xi32, #tpu.memory_space<hbm>> -> memref<40xi32, #tpu.memory_space<hbm>>
    tpu.enqueue_dma source(%dma_start3A_7 : memref<40xi32, #tpu.memory_space<hbm>>) target(%arg7 : memref<40xi32, #tpu.memory_space<vmem>>) target_semaphore(%arg15 : memref<!tpu.dma_semaphore, #tpu.memory_space<semaphore_mem>>)
    %dma_start3A_8 = arith.constant 0 : i32
    %dma_start3A_9 = tpu.memref_slice %arg2[%add3A_6, %dma_start3A_8] : memref<160000x128xf32, #tpu.memory_space<hbm>> -> memref<40x128xf32, #tpu.memory_space<hbm>>
    %dma_start3A_10 = arith.constant 0 : i32
    %dma_start3A_11 = tpu.memref_slice %arg2[%add3A_6, %dma_start3A_10] : memref<160000x128xf32, #tpu.memory_space<hbm>> -> memref<40x128xf32, #tpu.memory_space<hbm>>
    tpu.enqueue_dma source(%dma_start3A_11 : memref<40x128xf32, #tpu.memory_space<hbm>>) target(%arg6 : memref<40x128xf32, #tpu.memory_space<vmem>>) target_semaphore(%arg15 : memref<!tpu.dma_semaphore, #tpu.memory_space<semaphore_mem>>)
    %add3A_12 = arith.constant 40 : i32
    %add3A_13 = arith.addi %mul3A_2, %add3A_12 : i32
    %dma_start3A_14 = tpu.memref_slice %arg3[%add3A_13] : memref<160000xi32, #tpu.memory_space<hbm>> -> memref<40xi32, #tpu.memory_space<hbm>>
    %dma_start3A_15 = tpu.memref_slice %arg3[%add3A_13] : memref<160000xi32, #tpu.memory_space<hbm>> -> memref<40xi32, #tpu.memory_space<hbm>>
    tpu.enqueue_dma source(%dma_start3A_15 : memref<40xi32, #tpu.memory_space<hbm>>) target(%arg9 : memref<40xi32, #tpu.memory_space<vmem>>) target_semaphore(%arg16 : memref<!tpu.dma_semaphore, #tpu.memory_space<semaphore_mem>>)
    %dma_start3A_16 = arith.constant 0 : i32
    %dma_start3A_17 = tpu.memref_slice %arg2[%add3A_13, %dma_start3A_16] : memref<160000x128xf32, #tpu.memory_space<hbm>> -> memref<40x128xf32, #tpu.memory_space<hbm>>
    %dma_start3A_18 = arith.constant 0 : i32
    %dma_start3A_19 = tpu.memref_slice %arg2[%add3A_13, %dma_start3A_18] : memref<160000x128xf32, #tpu.memory_space<hbm>> -> memref<40x128xf32, #tpu.memory_space<hbm>>
    tpu.enqueue_dma source(%dma_start3A_19 : memref<40x128xf32, #tpu.memory_space<hbm>>) target(%arg8 : memref<40x128xf32, #tpu.memory_space<vmem>>) target_semaphore(%arg16 : memref<!tpu.dma_semaphore, #tpu.memory_space<semaphore_mem>>)
    %add3A_20 = arith.constant 80 : i32
    %add3A_21 = arith.addi %mul3A_2, %add3A_20 : i32
    %dma_start3A_22 = tpu.memref_slice %arg3[%add3A_21] : memref<160000xi32, #tpu.memory_space<hbm>> -> memref<40xi32, #tpu.memory_space<hbm>>
    %dma_start3A_23 = tpu.memref_slice %arg3[%add3A_21] : memref<160000xi32, #tpu.memory_space<hbm>> -> memref<40xi32, #tpu.memory_space<hbm>>
    tpu.enqueue_dma source(%dma_start3A_23 : memref<40xi32, #tpu.memory_space<hbm>>) target(%arg11 : memref<40xi32, #tpu.memory_space<vmem>>) target_semaphore(%arg17 : memref<!tpu.dma_semaphore, #tpu.memory_space<semaphore_mem>>)
    %dma_start3A_24 = arith.constant 0 : i32
    %dma_start3A_25 = tpu.memref_slice %arg2[%add3A_21, %dma_start3A_24] : memref<160000x128xf32, #tpu.memory_space<hbm>> -> memref<40x128xf32, #tpu.memory_space<hbm>>
    %dma_start3A_26 = arith.constant 0 : i32
    %dma_start3A_27 = tpu.memref_slice %arg2[%add3A_21, %dma_start3A_26] : memref<160000x128xf32, #tpu.memory_space<hbm>> -> memref<40x128xf32, #tpu.memory_space<hbm>>
    tpu.enqueue_dma source(%dma_start3A_27 : memref<40x128xf32, #tpu.memory_space<hbm>>) target(%arg10 : memref<40x128xf32, #tpu.memory_space<vmem>>) target_semaphore(%arg17 : memref<!tpu.dma_semaphore, #tpu.memory_space<semaphore_mem>>)
    %scan3A = arith.constant 0 : i32
    %scan3A_28 = arith.constant 0 : i32
    %scan3A_29 = arith.constant 31 : i32
    %scan3A_30 = arith.addi %scan3A_28, %scan3A_29 : i32
    %scan3A_31 = arith.constant 1 : i32
    scf.for %scan3A_48 = %scan3A_28 to %scan3A_30 step %scan3A_31  : i32 {
      %mul3A_49 = arith.constant 4 : i32
      %mul3A_50 = arith.muli %mul3A_49, %scan3A_48 : i32
      %add3A_51 = arith.constant 0 : i32
      %add3A_52 = arith.addi %mul3A_50, %add3A_51 : i32
      %add3A_53 = arith.constant 4 : i32
      %add3A_54 = arith.addi %add3A_52, %add3A_53 : i32
      %sub3A = arith.constant 1 : i32
      %sub3A_55 = arith.subi %add3A_54, %sub3A : i32
      %lt3A = arith.constant 125 : i32
      %lt3A_56 = arith.cmpi slt, %sub3A_55, %lt3A : i32
      %convert_element_type3A_57 = arith.extui %lt3A_56 : i1 to i32
      %cond3A_58 = arith.constant 0 : i32
      %cond3A_59 = arith.cmpi ne, %convert_element_type3A_57, %cond3A_58 : i32
      scf.if %cond3A_59 {
        %add3A_129 = arith.constant 4 : i32
        %add3A_130 = arith.addi %add3A_52, %add3A_129 : i32
        %sub3A_131 = arith.constant 1 : i32
        %sub3A_132 = arith.subi %add3A_130, %sub3A_131 : i32
        %mul3A_133 = arith.constant 40 : i32
        %mul3A_134 = arith.muli %sub3A_132, %mul3A_133 : i32
        %add3A_135 = arith.addi %mul3A_2, %mul3A_134 : i32
        %dma_start3A_136 = tpu.memref_slice %arg3[%add3A_135] : memref<160000xi32, #tpu.memory_space<hbm>> -> memref<40xi32, #tpu.memory_space<hbm>>
        %dma_start3A_137 = tpu.memref_slice %arg3[%add3A_135] : memref<160000xi32, #tpu.memory_space<hbm>> -> memref<40xi32, #tpu.memory_space<hbm>>
        tpu.enqueue_dma source(%dma_start3A_137 : memref<40xi32, #tpu.memory_space<hbm>>) target(%arg13 : memref<40xi32, #tpu.memory_space<vmem>>) target_semaphore(%arg18 : memref<!tpu.dma_semaphore, #tpu.memory_space<semaphore_mem>>)
        %dma_start3A_138 = arith.constant 0 : i32
        %dma_start3A_139 = tpu.memref_slice %arg2[%add3A_135, %dma_start3A_138] : memref<160000x128xf32, #tpu.memory_space<hbm>> -> memref<40x128xf32, #tpu.memory_space<hbm>>
        %dma_start3A_140 = arith.constant 0 : i32
        %dma_start3A_141 = tpu.memref_slice %arg2[%add3A_135, %dma_start3A_140] : memref<160000x128xf32, #tpu.memory_space<hbm>> -> memref<40x128xf32, #tpu.memory_space<hbm>>
        tpu.enqueue_dma source(%dma_start3A_141 : memref<40x128xf32, #tpu.memory_space<hbm>>) target(%arg12 : memref<40x128xf32, #tpu.memory_space<vmem>>) target_semaphore(%arg18 : memref<!tpu.dma_semaphore, #tpu.memory_space<semaphore_mem>>)
      } else {
      }
      %mul3A_60 = arith.constant 40 : i32
      %mul3A_61 = arith.muli %add3A_52, %mul3A_60 : i32
      %add3A_62 = arith.addi %mul3A_2, %mul3A_61 : i32
      %dma_wait3A_63 = tpu.memref_slice %arg3[%add3A_62] : memref<160000xi32, #tpu.memory_space<hbm>> -> memref<40xi32, #tpu.memory_space<hbm>>
      %dma_wait3A_64 = tpu.memref_slice %arg3[%add3A_62] : memref<160000xi32, #tpu.memory_space<hbm>> -> memref<40xi32, #tpu.memory_space<hbm>>
      tpu.wait_dma2 semaphore(%arg15 : memref<!tpu.dma_semaphore, #tpu.memory_space<semaphore_mem>>) src(%dma_wait3A_64 : memref<40xi32, #tpu.memory_space<hbm>>) dst(%arg7 : memref<40xi32, #tpu.memory_space<vmem>>)
      %dma_wait3A_65 = arith.constant 0 : i32
      %dma_wait3A_66 = tpu.memref_slice %arg2[%add3A_62, %dma_wait3A_65] : memref<160000x128xf32, #tpu.memory_space<hbm>> -> memref<40x128xf32, #tpu.memory_space<hbm>>
      %dma_wait3A_67 = arith.constant 0 : i32
      %dma_wait3A_68 = tpu.memref_slice %arg2[%add3A_62, %dma_wait3A_67] : memref<160000x128xf32, #tpu.memory_space<hbm>> -> memref<40x128xf32, #tpu.memory_space<hbm>>
      tpu.wait_dma2 semaphore(%arg15 : memref<!tpu.dma_semaphore, #tpu.memory_space<semaphore_mem>>) src(%dma_wait3A_68 : memref<40x128xf32, #tpu.memory_space<hbm>>) dst(%arg6 : memref<40x128xf32, #tpu.memory_space<vmem>>)
      "tpu.region"() ({
        %run_scoped3A = tpu.sem_alloc : memref<!tpu.dma_semaphore, #tpu.memory_space<semaphore_mem>>
        %dma_start3A_129 = arith.constant 0 : i32
        %dma_start3A_130 = arith.constant 0 : i32
        %dma_start3A_131 = tpu.memref_slice %arg14[%dma_start3A_129, %dma_start3A_130] : memref<10000x128xf32, #tpu.memory_space<vmem_shared>> -> memref<10000x128xf32, #tpu.memory_space<vmem_shared>>
        tpu.enqueue_indirect_dma source(%arg6 : memref<40x128xf32, #tpu.memory_space<vmem>>) target(%dma_start3A_131 : memref<10000x128xf32, #tpu.memory_space<vmem_shared>>) offsets(%arg7 : memref<40xi32, #tpu.memory_space<vmem>>) semaphore(%run_scoped3A : memref<!tpu.dma_semaphore, #tpu.memory_space<semaphore_mem>>) {add = true}
        %dma_wait3A_132 = arith.constant 0 : i32
        %dma_wait3A_133 = arith.constant 0 : i32
        %dma_wait3A_134 = tpu.memref_slice %arg14[%dma_wait3A_132, %dma_wait3A_133] : memref<10000x128xf32, #tpu.memory_space<vmem_shared>> -> memref<10000x128xf32, #tpu.memory_space<vmem_shared>>
        tpu.wait_indirect_dma semaphore(%run_scoped3A : memref<!tpu.dma_semaphore, #tpu.memory_space<semaphore_mem>>) src(%arg6 : memref<40x128xf32, #tpu.memory_space<vmem>>) dst(%dma_wait3A_134 : memref<10000x128xf32, #tpu.memory_space<vmem_shared>>)
        tpu.yield
      }) : () -> ()
      %add3A_69 = arith.constant 1 : i32
      %add3A_70 = arith.addi %mul3A_50, %add3A_69 : i32
      %add3A_71 = arith.constant 4 : i32
      %add3A_72 = arith.addi %add3A_70, %add3A_71 : i32
      %sub3A_73 = arith.constant 1 : i32
      %sub3A_74 = arith.subi %add3A_72, %sub3A_73 : i32
      %lt3A_75 = arith.constant 125 : i32
      %lt3A_76 = arith.cmpi slt, %sub3A_74, %lt3A_75 : i32
      %convert_element_type3A_77 = arith.extui %lt3A_76 : i1 to i32
      %cond3A_78 = arith.constant 0 : i32
      %cond3A_79 = arith.cmpi ne, %convert_element_type3A_77, %cond3A_78 : i32
      scf.if %cond3A_79 {
        %add3A_129 = arith.constant 4 : i32
        %add3A_130 = arith.addi %add3A_70, %add3A_129 : i32
        %sub3A_131 = arith.constant 1 : i32
        %sub3A_132 = arith.subi %add3A_130, %sub3A_131 : i32
        %mul3A_133 = arith.constant 40 : i32
        %mul3A_134 = arith.muli %sub3A_132, %mul3A_133 : i32
        %add3A_135 = arith.addi %mul3A_2, %mul3A_134 : i32
        %dma_start3A_136 = tpu.memref_slice %arg3[%add3A_135] : memref<160000xi32, #tpu.memory_space<hbm>> -> memref<40xi32, #tpu.memory_space<hbm>>
        %dma_start3A_137 = tpu.memref_slice %arg3[%add3A_135] : memref<160000xi32, #tpu.memory_space<hbm>> -> memref<40xi32, #tpu.memory_space<hbm>>
        tpu.enqueue_dma source(%dma_start3A_137 : memref<40xi32, #tpu.memory_space<hbm>>) target(%arg7 : memref<40xi32, #tpu.memory_space<vmem>>) target_semaphore(%arg15 : memref<!tpu.dma_semaphore, #tpu.memory_space<semaphore_mem>>)
        %dma_start3A_138 = arith.constant 0 : i32
        %dma_start3A_139 = tpu.memref_slice %arg2[%add3A_135, %dma_start3A_138] : memref<160000x128xf32, #tpu.memory_space<hbm>> -> memref<40x128xf32, #tpu.memory_space<hbm>>
        %dma_start3A_140 = arith.constant 0 : i32
        %dma_start3A_141 = tpu.memref_slice %arg2[%add3A_135, %dma_start3A_140] : memref<160000x128xf32, #tpu.memory_space<hbm>> -> memref<40x128xf32, #tpu.memory_space<hbm>>
        tpu.enqueue_dma source(%dma_start3A_141 : memref<40x128xf32, #tpu.memory_space<hbm>>) target(%arg6 : memref<40x128xf32, #tpu.memory_space<vmem>>) target_semaphore(%arg15 : memref<!tpu.dma_semaphore, #tpu.memory_space<semaphore_mem>>)
      } else {
      }
      %mul3A_80 = arith.constant 40 : i32
      %mul3A_81 = arith.muli %add3A_70, %mul3A_80 : i32
      %add3A_82 = arith.addi %mul3A_2, %mul3A_81 : i32
      %dma_wait3A_83 = tpu.memref_slice %arg3[%add3A_82] : memref<160000xi32, #tpu.memory_space<hbm>> -> memref<40xi32, #tpu.memory_space<hbm>>
      %dma_wait3A_84 = tpu.memref_slice %arg3[%add3A_82] : memref<160000xi32, #tpu.memory_space<hbm>> -> memref<40xi32, #tpu.memory_space<hbm>>
      tpu.wait_dma2 semaphore(%arg16 : memref<!tpu.dma_semaphore, #tpu.memory_space<semaphore_mem>>) src(%dma_wait3A_84 : memref<40xi32, #tpu.memory_space<hbm>>) dst(%arg9 : memref<40xi32, #tpu.memory_space<vmem>>)
      %dma_wait3A_85 = arith.constant 0 : i32
      %dma_wait3A_86 = tpu.memref_slice %arg2[%add3A_82, %dma_wait3A_85] : memref<160000x128xf32, #tpu.memory_space<hbm>> -> memref<40x128xf32, #tpu.memory_space<hbm>>
      %dma_wait3A_87 = arith.constant 0 : i32
      %dma_wait3A_88 = tpu.memref_slice %arg2[%add3A_82, %dma_wait3A_87] : memref<160000x128xf32, #tpu.memory_space<hbm>> -> memref<40x128xf32, #tpu.memory_space<hbm>>
      tpu.wait_dma2 semaphore(%arg16 : memref<!tpu.dma_semaphore, #tpu.memory_space<semaphore_mem>>) src(%dma_wait3A_88 : memref<40x128xf32, #tpu.memory_space<hbm>>) dst(%arg8 : memref<40x128xf32, #tpu.memory_space<vmem>>)
      "tpu.region"() ({
        %run_scoped3A = tpu.sem_alloc : memref<!tpu.dma_semaphore, #tpu.memory_space<semaphore_mem>>
        %dma_start3A_129 = arith.constant 0 : i32
        %dma_start3A_130 = arith.constant 0 : i32
        %dma_start3A_131 = tpu.memref_slice %arg14[%dma_start3A_129, %dma_start3A_130] : memref<10000x128xf32, #tpu.memory_space<vmem_shared>> -> memref<10000x128xf32, #tpu.memory_space<vmem_shared>>
        tpu.enqueue_indirect_dma source(%arg8 : memref<40x128xf32, #tpu.memory_space<vmem>>) target(%dma_start3A_131 : memref<10000x128xf32, #tpu.memory_space<vmem_shared>>) offsets(%arg9 : memref<40xi32, #tpu.memory_space<vmem>>) semaphore(%run_scoped3A : memref<!tpu.dma_semaphore, #tpu.memory_space<semaphore_mem>>) {add = true}
        %dma_wait3A_132 = arith.constant 0 : i32
        %dma_wait3A_133 = arith.constant 0 : i32
        %dma_wait3A_134 = tpu.memref_slice %arg14[%dma_wait3A_132, %dma_wait3A_133] : memref<10000x128xf32, #tpu.memory_space<vmem_shared>> -> memref<10000x128xf32, #tpu.memory_space<vmem_shared>>
        tpu.wait_indirect_dma semaphore(%run_scoped3A : memref<!tpu.dma_semaphore, #tpu.memory_space<semaphore_mem>>) src(%arg8 : memref<40x128xf32, #tpu.memory_space<vmem>>) dst(%dma_wait3A_134 : memref<10000x128xf32, #tpu.memory_space<vmem_shared>>)
        tpu.yield
      }) : () -> ()
      %add3A_89 = arith.constant 2 : i32
      %add3A_90 = arith.addi %mul3A_50, %add3A_89 : i32
      %add3A_91 = arith.constant 4 : i32
      %add3A_92 = arith.addi %add3A_90, %add3A_91 : i32
      %sub3A_93 = arith.constant 1 : i32
      %sub3A_94 = arith.subi %add3A_92, %sub3A_93 : i32
      %lt3A_95 = arith.constant 125 : i32
      %lt3A_96 = arith.cmpi slt, %sub3A_94, %lt3A_95 : i32
      %convert_element_type3A_97 = arith.extui %lt3A_96 : i1 to i32
      %cond3A_98 = arith.constant 0 : i32
      %cond3A_99 = arith.cmpi ne, %convert_element_type3A_97, %cond3A_98 : i32
      scf.if %cond3A_99 {
        %add3A_129 = arith.constant 4 : i32
        %add3A_130 = arith.addi %add3A_90, %add3A_129 : i32
        %sub3A_131 = arith.constant 1 : i32
        %sub3A_132 = arith.subi %add3A_130, %sub3A_131 : i32
        %mul3A_133 = arith.constant 40 : i32
        %mul3A_134 = arith.muli %sub3A_132, %mul3A_133 : i32
        %add3A_135 = arith.addi %mul3A_2, %mul3A_134 : i32
        %dma_start3A_136 = tpu.memref_slice %arg3[%add3A_135] : memref<160000xi32, #tpu.memory_space<hbm>> -> memref<40xi32, #tpu.memory_space<hbm>>
        %dma_start3A_137 = tpu.memref_slice %arg3[%add3A_135] : memref<160000xi32, #tpu.memory_space<hbm>> -> memref<40xi32, #tpu.memory_space<hbm>>
        tpu.enqueue_dma source(%dma_start3A_137 : memref<40xi32, #tpu.memory_space<hbm>>) target(%arg9 : memref<40xi32, #tpu.memory_space<vmem>>) target_semaphore(%arg16 : memref<!tpu.dma_semaphore, #tpu.memory_space<semaphore_mem>>)
        %dma_start3A_138 = arith.constant 0 : i32
        %dma_start3A_139 = tpu.memref_slice %arg2[%add3A_135, %dma_start3A_138] : memref<160000x128xf32, #tpu.memory_space<hbm>> -> memref<40x128xf32, #tpu.memory_space<hbm>>
        %dma_start3A_140 = arith.constant 0 : i32
        %dma_start3A_141 = tpu.memref_slice %arg2[%add3A_135, %dma_start3A_140] : memref<160000x128xf32, #tpu.memory_space<hbm>> -> memref<40x128xf32, #tpu.memory_space<hbm>>
        tpu.enqueue_dma source(%dma_start3A_141 : memref<40x128xf32, #tpu.memory_space<hbm>>) target(%arg8 : memref<40x128xf32, #tpu.memory_space<vmem>>) target_semaphore(%arg16 : memref<!tpu.dma_semaphore, #tpu.memory_space<semaphore_mem>>)
      } else {
      }
      %mul3A_100 = arith.constant 40 : i32
      %mul3A_101 = arith.muli %add3A_90, %mul3A_100 : i32
      %add3A_102 = arith.addi %mul3A_2, %mul3A_101 : i32
      %dma_wait3A_103 = tpu.memref_slice %arg3[%add3A_102] : memref<160000xi32, #tpu.memory_space<hbm>> -> memref<40xi32, #tpu.memory_space<hbm>>
      %dma_wait3A_104 = tpu.memref_slice %arg3[%add3A_102] : memref<160000xi32, #tpu.memory_space<hbm>> -> memref<40xi32, #tpu.memory_space<hbm>>
      tpu.wait_dma2 semaphore(%arg17 : memref<!tpu.dma_semaphore, #tpu.memory_space<semaphore_mem>>) src(%dma_wait3A_104 : memref<40xi32, #tpu.memory_space<hbm>>) dst(%arg11 : memref<40xi32, #tpu.memory_space<vmem>>)
      %dma_wait3A_105 = arith.constant 0 : i32
      %dma_wait3A_106 = tpu.memref_slice %arg2[%add3A_102, %dma_wait3A_105] : memref<160000x128xf32, #tpu.memory_space<hbm>> -> memref<40x128xf32, #tpu.memory_space<hbm>>
      %dma_wait3A_107 = arith.constant 0 : i32
      %dma_wait3A_108 = tpu.memref_slice %arg2[%add3A_102, %dma_wait3A_107] : memref<160000x128xf32, #tpu.memory_space<hbm>> -> memref<40x128xf32, #tpu.memory_space<hbm>>
      tpu.wait_dma2 semaphore(%arg17 : memref<!tpu.dma_semaphore, #tpu.memory_space<semaphore_mem>>) src(%dma_wait3A_108 : memref<40x128xf32, #tpu.memory_space<hbm>>) dst(%arg10 : memref<40x128xf32, #tpu.memory_space<vmem>>)
      "tpu.region"() ({
        %run_scoped3A = tpu.sem_alloc : memref<!tpu.dma_semaphore, #tpu.memory_space<semaphore_mem>>
        %dma_start3A_129 = arith.constant 0 : i32
        %dma_start3A_130 = arith.constant 0 : i32
        %dma_start3A_131 = tpu.memref_slice %arg14[%dma_start3A_129, %dma_start3A_130] : memref<10000x128xf32, #tpu.memory_space<vmem_shared>> -> memref<10000x128xf32, #tpu.memory_space<vmem_shared>>
        tpu.enqueue_indirect_dma source(%arg10 : memref<40x128xf32, #tpu.memory_space<vmem>>) target(%dma_start3A_131 : memref<10000x128xf32, #tpu.memory_space<vmem_shared>>) offsets(%arg11 : memref<40xi32, #tpu.memory_space<vmem>>) semaphore(%run_scoped3A : memref<!tpu.dma_semaphore, #tpu.memory_space<semaphore_mem>>) {add = true}
        %dma_wait3A_132 = arith.constant 0 : i32
        %dma_wait3A_133 = arith.constant 0 : i32
        %dma_wait3A_134 = tpu.memref_slice %arg14[%dma_wait3A_132, %dma_wait3A_133] : memref<10000x128xf32, #tpu.memory_space<vmem_shared>> -> memref<10000x128xf32, #tpu.memory_space<vmem_shared>>
        tpu.wait_indirect_dma semaphore(%run_scoped3A : memref<!tpu.dma_semaphore, #tpu.memory_space<semaphore_mem>>) src(%arg10 : memref<40x128xf32, #tpu.memory_space<vmem>>) dst(%dma_wait3A_134 : memref<10000x128xf32, #tpu.memory_space<vmem_shared>>)
        tpu.yield
      }) : () -> ()
      %add3A_109 = arith.constant 3 : i32
      %add3A_110 = arith.addi %mul3A_50, %add3A_109 : i32
      %add3A_111 = arith.constant 4 : i32
      %add3A_112 = arith.addi %add3A_110, %add3A_111 : i32
      %sub3A_113 = arith.constant 1 : i32
      %sub3A_114 = arith.subi %add3A_112, %sub3A_113 : i32
      %lt3A_115 = arith.constant 125 : i32
      %lt3A_116 = arith.cmpi slt, %sub3A_114, %lt3A_115 : i32
      %convert_element_type3A_117 = arith.extui %lt3A_116 : i1 to i32
      %cond3A_118 = arith.constant 0 : i32
      %cond3A_119 = arith.cmpi ne, %convert_element_type3A_117, %cond3A_118 : i32
      scf.if %cond3A_119 {
        %add3A_129 = arith.constant 4 : i32
        %add3A_130 = arith.addi %add3A_110, %add3A_129 : i32
        %sub3A_131 = arith.constant 1 : i32
        %sub3A_132 = arith.subi %add3A_130, %sub3A_131 : i32
        %mul3A_133 = arith.constant 40 : i32
        %mul3A_134 = arith.muli %sub3A_132, %mul3A_133 : i32
        %add3A_135 = arith.addi %mul3A_2, %mul3A_134 : i32
        %dma_start3A_136 = tpu.memref_slice %arg3[%add3A_135] : memref<160000xi32, #tpu.memory_space<hbm>> -> memref<40xi32, #tpu.memory_space<hbm>>
        %dma_start3A_137 = tpu.memref_slice %arg3[%add3A_135] : memref<160000xi32, #tpu.memory_space<hbm>> -> memref<40xi32, #tpu.memory_space<hbm>>
        tpu.enqueue_dma source(%dma_start3A_137 : memref<40xi32, #tpu.memory_space<hbm>>) target(%arg11 : memref<40xi32, #tpu.memory_space<vmem>>) target_semaphore(%arg17 : memref<!tpu.dma_semaphore, #tpu.memory_space<semaphore_mem>>)
        %dma_start3A_138 = arith.constant 0 : i32
        %dma_start3A_139 = tpu.memref_slice %arg2[%add3A_135, %dma_start3A_138] : memref<160000x128xf32, #tpu.memory_space<hbm>> -> memref<40x128xf32, #tpu.memory_space<hbm>>
        %dma_start3A_140 = arith.constant 0 : i32
        %dma_start3A_141 = tpu.memref_slice %arg2[%add3A_135, %dma_start3A_140] : memref<160000x128xf32, #tpu.memory_space<hbm>> -> memref<40x128xf32, #tpu.memory_space<hbm>>
        tpu.enqueue_dma source(%dma_start3A_141 : memref<40x128xf32, #tpu.memory_space<hbm>>) target(%arg10 : memref<40x128xf32, #tpu.memory_space<vmem>>) target_semaphore(%arg17 : memref<!tpu.dma_semaphore, #tpu.memory_space<semaphore_mem>>)
      } else {
      }
      %mul3A_120 = arith.constant 40 : i32
      %mul3A_121 = arith.muli %add3A_110, %mul3A_120 : i32
      %add3A_122 = arith.addi %mul3A_2, %mul3A_121 : i32
      %dma_wait3A_123 = tpu.memref_slice %arg3[%add3A_122] : memref<160000xi32, #tpu.memory_space<hbm>> -> memref<40xi32, #tpu.memory_space<hbm>>
      %dma_wait3A_124 = tpu.memref_slice %arg3[%add3A_122] : memref<160000xi32, #tpu.memory_space<hbm>> -> memref<40xi32, #tpu.memory_space<hbm>>
      tpu.wait_dma2 semaphore(%arg18 : memref<!tpu.dma_semaphore, #tpu.memory_space<semaphore_mem>>) src(%dma_wait3A_124 : memref<40xi32, #tpu.memory_space<hbm>>) dst(%arg13 : memref<40xi32, #tpu.memory_space<vmem>>)
      %dma_wait3A_125 = arith.constant 0 : i32
      %dma_wait3A_126 = tpu.memref_slice %arg2[%add3A_122, %dma_wait3A_125] : memref<160000x128xf32, #tpu.memory_space<hbm>> -> memref<40x128xf32, #tpu.memory_space<hbm>>
      %dma_wait3A_127 = arith.constant 0 : i32
      %dma_wait3A_128 = tpu.memref_slice %arg2[%add3A_122, %dma_wait3A_127] : memref<160000x128xf32, #tpu.memory_space<hbm>> -> memref<40x128xf32, #tpu.memory_space<hbm>>
      tpu.wait_dma2 semaphore(%arg18 : memref<!tpu.dma_semaphore, #tpu.memory_space<semaphore_mem>>) src(%dma_wait3A_128 : memref<40x128xf32, #tpu.memory_space<hbm>>) dst(%arg12 : memref<40x128xf32, #tpu.memory_space<vmem>>)
      "tpu.region"() ({
        %run_scoped3A = tpu.sem_alloc : memref<!tpu.dma_semaphore, #tpu.memory_space<semaphore_mem>>
        %dma_start3A_129 = arith.constant 0 : i32
        %dma_start3A_130 = arith.constant 0 : i32
        %dma_start3A_131 = tpu.memref_slice %arg14[%dma_start3A_129, %dma_start3A_130] : memref<10000x128xf32, #tpu.memory_space<vmem_shared>> -> memref<10000x128xf32, #tpu.memory_space<vmem_shared>>
        tpu.enqueue_indirect_dma source(%arg12 : memref<40x128xf32, #tpu.memory_space<vmem>>) target(%dma_start3A_131 : memref<10000x128xf32, #tpu.memory_space<vmem_shared>>) offsets(%arg13 : memref<40xi32, #tpu.memory_space<vmem>>) semaphore(%run_scoped3A : memref<!tpu.dma_semaphore, #tpu.memory_space<semaphore_mem>>) {add = true}
        %dma_wait3A_132 = arith.constant 0 : i32
        %dma_wait3A_133 = arith.constant 0 : i32
        %dma_wait3A_134 = tpu.memref_slice %arg14[%dma_wait3A_132, %dma_wait3A_133] : memref<10000x128xf32, #tpu.memory_space<vmem_shared>> -> memref<10000x128xf32, #tpu.memory_space<vmem_shared>>
        tpu.wait_indirect_dma semaphore(%run_scoped3A : memref<!tpu.dma_semaphore, #tpu.memory_space<semaphore_mem>>) src(%arg12 : memref<40x128xf32, #tpu.memory_space<vmem>>) dst(%dma_wait3A_134 : memref<10000x128xf32, #tpu.memory_space<vmem_shared>>)
        tpu.yield
      }) : () -> ()
    }
    %scan3A_32 = arith.constant 31 : i32
    %add3A_33 = arith.constant 4960 : i32
    %add3A_34 = arith.addi %mul3A_2, %add3A_33 : i32
    %dma_wait3A = tpu.memref_slice %arg3[%add3A_34] : memref<160000xi32, #tpu.memory_space<hbm>> -> memref<40xi32, #tpu.memory_space<hbm>>
    %dma_wait3A_35 = tpu.memref_slice %arg3[%add3A_34] : memref<160000xi32, #tpu.memory_space<hbm>> -> memref<40xi32, #tpu.memory_space<hbm>>
    tpu.wait_dma2 semaphore(%arg15 : memref<!tpu.dma_semaphore, #tpu.memory_space<semaphore_mem>>) src(%dma_wait3A_35 : memref<40xi32, #tpu.memory_space<hbm>>) dst(%arg7 : memref<40xi32, #tpu.memory_space<vmem>>)
    %dma_wait3A_36 = arith.constant 0 : i32
    %dma_wait3A_37 = tpu.memref_slice %arg2[%add3A_34, %dma_wait3A_36] : memref<160000x128xf32, #tpu.memory_space<hbm>> -> memref<40x128xf32, #tpu.memory_space<hbm>>
    %dma_wait3A_38 = arith.constant 0 : i32
    %dma_wait3A_39 = tpu.memref_slice %arg2[%add3A_34, %dma_wait3A_38] : memref<160000x128xf32, #tpu.memory_space<hbm>> -> memref<40x128xf32, #tpu.memory_space<hbm>>
    tpu.wait_dma2 semaphore(%arg15 : memref<!tpu.dma_semaphore, #tpu.memory_space<semaphore_mem>>) src(%dma_wait3A_39 : memref<40x128xf32, #tpu.memory_space<hbm>>) dst(%arg6 : memref<40x128xf32, #tpu.memory_space<vmem>>)
    "tpu.region"() ({
      %run_scoped3A = tpu.sem_alloc : memref<!tpu.dma_semaphore, #tpu.memory_space<semaphore_mem>>
      %dma_start3A_48 = arith.constant 0 : i32
      %dma_start3A_49 = arith.constant 0 : i32
      %dma_start3A_50 = tpu.memref_slice %arg14[%dma_start3A_48, %dma_start3A_49] : memref<10000x128xf32, #tpu.memory_space<vmem_shared>> -> memref<10000x128xf32, #tpu.memory_space<vmem_shared>>
      tpu.enqueue_indirect_dma source(%arg6 : memref<40x128xf32, #tpu.memory_space<vmem>>) target(%dma_start3A_50 : memref<10000x128xf32, #tpu.memory_space<vmem_shared>>) offsets(%arg7 : memref<40xi32, #tpu.memory_space<vmem>>) semaphore(%run_scoped3A : memref<!tpu.dma_semaphore, #tpu.memory_space<semaphore_mem>>) {add = true}
      %dma_wait3A_51 = arith.constant 0 : i32
      %dma_wait3A_52 = arith.constant 0 : i32
      %dma_wait3A_53 = tpu.memref_slice %arg14[%dma_wait3A_51, %dma_wait3A_52] : memref<10000x128xf32, #tpu.memory_space<vmem_shared>> -> memref<10000x128xf32, #tpu.memory_space<vmem_shared>>
      tpu.wait_indirect_dma semaphore(%run_scoped3A : memref<!tpu.dma_semaphore, #tpu.memory_space<semaphore_mem>>) src(%arg6 : memref<40x128xf32, #tpu.memory_space<vmem>>) dst(%dma_wait3A_53 : memref<10000x128xf32, #tpu.memory_space<vmem_shared>>)
      tpu.yield
    }) : () -> ()
    %barrier3A_40 = arith.constant 0 : index
    tpu.barrier barrier_id(%barrier3A_40)
    %mul3A_41 = arith.constant 624 : i32
    %mul3A_42 = arith.muli %arg1, %mul3A_41 : i32
    "tpu.region"() ({
      %run_scoped3A = tpu.sem_alloc : memref<!tpu.dma_semaphore, #tpu.memory_space<semaphore_mem>>
      %dma_start3A_48 = arith.constant 0 : i32
      %dma_start3A_49 = tpu.memref_slice %arg5[%arg0, %mul3A_42, %dma_start3A_48] : memref<2x10000x128xf32, #tpu.memory_space<hbm>> -> memref<1x624x128xf32, #tpu.memory_space<hbm>>
      %dma_start3A_50 = tpu.memref_squeeze %dma_start3A_49 : memref<1x624x128xf32, #tpu.memory_space<hbm>> -> memref<624x128xf32, #tpu.memory_space<hbm>>
      %dma_start3A_51 = arith.constant 0 : i32
      %dma_start3A_52 = tpu.memref_slice %arg14[%mul3A_42, %dma_start3A_51] : memref<10000x128xf32, #tpu.memory_space<vmem_shared>> -> memref<624x128xf32, #tpu.memory_space<vmem_shared>>
      tpu.enqueue_dma source(%dma_start3A_52 : memref<624x128xf32, #tpu.memory_space<vmem_shared>>) target(%dma_start3A_50 : memref<624x128xf32, #tpu.memory_space<hbm>>) target_semaphore(%run_scoped3A : memref<!tpu.dma_semaphore, #tpu.memory_space<semaphore_mem>>)
      %dma_wait3A_53 = arith.constant 0 : i32
      %dma_wait3A_54 = tpu.memref_slice %arg5[%arg0, %mul3A_42, %dma_wait3A_53] : memref<2x10000x128xf32, #tpu.memory_space<hbm>> -> memref<1x624x128xf32, #tpu.memory_space<hbm>>
      %dma_wait3A_55 = tpu.memref_squeeze %dma_wait3A_54 : memref<1x624x128xf32, #tpu.memory_space<hbm>> -> memref<624x128xf32, #tpu.memory_space<hbm>>
      %dma_wait3A_56 = arith.constant 0 : i32
      %dma_wait3A_57 = tpu.memref_slice %arg14[%mul3A_42, %dma_wait3A_56] : memref<10000x128xf32, #tpu.memory_space<vmem_shared>> -> memref<624x128xf32, #tpu.memory_space<vmem_shared>>
      tpu.wait_dma2 semaphore(%run_scoped3A : memref<!tpu.dma_semaphore, #tpu.memory_space<semaphore_mem>>) src(%dma_wait3A_57 : memref<624x128xf32, #tpu.memory_space<vmem_shared>>) dst(%dma_wait3A_55 : memref<624x128xf32, #tpu.memory_space<hbm>>)
      tpu.yield
    }) : () -> ()
    %eq3A_43 = arith.constant 15 : i32
    %eq3A_44 = arith.cmpi eq, %arg1, %eq3A_43 : i32
    %convert_element_type3A_45 = arith.extui %eq3A_44 : i1 to i32
    %cond3A_46 = arith.constant 0 : i32
    %cond3A_47 = arith.cmpi ne, %convert_element_type3A_45, %cond3A_46 : i32
    scf.if %cond3A_47 {
      "tpu.region"() ({
        %run_scoped3A = tpu.sem_alloc : memref<!tpu.dma_semaphore, #tpu.memory_space<semaphore_mem>>
        %dma_start3A_48 = arith.constant 9984 : i32
        %dma_start3A_49 = arith.constant 0 : i32
        %dma_start3A_50 = tpu.memref_slice %arg5[%arg0, %dma_start3A_48, %dma_start3A_49] : memref<2x10000x128xf32, #tpu.memory_space<hbm>> -> memref<1x16x128xf32, #tpu.memory_space<hbm>>
        %dma_start3A_51 = tpu.memref_squeeze %dma_start3A_50 : memref<1x16x128xf32, #tpu.memory_space<hbm>> -> memref<16x128xf32, #tpu.memory_space<hbm>>
        %dma_start3A_52 = arith.constant 9984 : i32
        %dma_start3A_53 = arith.constant 0 : i32
        %dma_start3A_54 = tpu.memref_slice %arg14[%dma_start3A_52, %dma_start3A_53] : memref<10000x128xf32, #tpu.memory_space<vmem_shared>> -> memref<16x128xf32, #tpu.memory_space<vmem_shared>>
        tpu.enqueue_dma source(%dma_start3A_54 : memref<16x128xf32, #tpu.memory_space<vmem_shared>>) target(%dma_start3A_51 : memref<16x128xf32, #tpu.memory_space<hbm>>) target_semaphore(%run_scoped3A : memref<!tpu.dma_semaphore, #tpu.memory_space<semaphore_mem>>)
        %dma_wait3A_55 = arith.constant 9984 : i32
        %dma_wait3A_56 = arith.constant 0 : i32
        %dma_wait3A_57 = tpu.memref_slice %arg5[%arg0, %dma_wait3A_55, %dma_wait3A_56] : memref<2x10000x128xf32, #tpu.memory_space<hbm>> -> memref<1x16x128xf32, #tpu.memory_space<hbm>>
        %dma_wait3A_58 = tpu.memref_squeeze %dma_wait3A_57 : memref<1x16x128xf32, #tpu.memory_space<hbm>> -> memref<16x128xf32, #tpu.memory_space<hbm>>
        %dma_wait3A_59 = arith.constant 9984 : i32
        %dma_wait3A_60 = arith.constant 0 : i32
        %dma_wait3A_61 = tpu.memref_slice %arg14[%dma_wait3A_59, %dma_wait3A_60] : memref<10000x128xf32, #tpu.memory_space<vmem_shared>> -> memref<16x128xf32, #tpu.memory_space<vmem_shared>>
        tpu.wait_dma2 semaphore(%run_scoped3A : memref<!tpu.dma_semaphore, #tpu.memory_space<semaphore_mem>>) src(%dma_wait3A_61 : memref<16x128xf32, #tpu.memory_space<vmem_shared>>) dst(%dma_wait3A_58 : memref<16x128xf32, #tpu.memory_space<hbm>>)
        tpu.yield
      }) : () -> ()
    } else {
    }
    return
  }
}

#map = affine_map<(d0, d1) -> (0, 0)>
#map1 = affine_map<(d0, d1) -> (0)>
#map2 = affine_map<(d0, d1) -> (0, 0, 0)>
module attributes {stable_mosaic.version = 14 : i64} {
  func.func @_sc_scatter_body(%arg0: i32, %arg1: i32, %arg2: memref<160000x128xf32, #tpu.memory_space<hbm>>, %arg3: memref<160000xi32, #tpu.memory_space<hbm>>, %arg4: memref<10000x128xf32, #tpu.memory_space<hbm>>, %arg5: memref<2x10000x128xf32, #tpu.memory_space<hbm>>, %arg6: memref<40x128xf32, #tpu.memory_space<vmem>>, %arg7: memref<40xi32, #tpu.memory_space<vmem>>, %arg8: memref<40x128xf32, #tpu.memory_space<vmem>>, %arg9: memref<40xi32, #tpu.memory_space<vmem>>, %arg10: memref<40x128xf32, #tpu.memory_space<vmem>>, %arg11: memref<40xi32, #tpu.memory_space<vmem>>, %arg12: memref<40x128xf32, #tpu.memory_space<vmem>>, %arg13: memref<40xi32, #tpu.memory_space<vmem>>, %arg14: memref<10000x128xf32, #tpu.memory_space<vmem_shared>>, %arg15: memref<!tpu.dma_semaphore, #tpu.memory_space<semaphore_mem>>, %arg16: memref<!tpu.dma_semaphore, #tpu.memory_space<semaphore_mem>>, %arg17: memref<!tpu.dma_semaphore, #tpu.memory_space<semaphore_mem>>, %arg18: memref<!tpu.dma_semaphore, #tpu.memory_space<semaphore_mem>>) attributes {dimension_semantics = [#tpu.dimension_semantics<core_parallel>, #tpu.dimension_semantics<subcore_parallel>], iteration_bounds = array<i64: 2, 16>, scalar_prefetch = 0 : i64, scratch_operands = 13 : i64, tpu.core_type = #tpu.core_type<sc_vector_subcore>, window_params = [{transform_indices = #map}, {transform_indices = #map1}, {transform_indices = #map}, {transform_indices = #map2}]} {
    %mul3A = arith.constant 2 : i32
    %mul3A_0 = arith.muli %arg1, %mul3A : i32
    %add3A = arith.addi %mul3A_0, %arg0 : i32
    %mul3A_1 = arith.constant 5000 : i32
    %mul3A_2 = arith.muli %add3A, %mul3A_1 : i32
    %eq3A = arith.constant 0 : i32
    %eq3A_3 = arith.cmpi eq, %arg1, %eq3A : i32
    %convert_element_type3A = arith.extui %eq3A_3 : i1 to i32
    %cond3A = arith.constant 0 : i32
    %cond3A_4 = arith.cmpi ne, %convert_element_type3A, %cond3A : i32
    scf.if %cond3A_4 {
      "tpu.region"() ({
        %run_scoped3A = tpu.sem_alloc : memref<!tpu.dma_semaphore, #tpu.memory_space<semaphore_mem>>
        tpu.enqueue_dma source(%arg4 : memref<10000x128xf32, #tpu.memory_space<hbm>>) target(%arg14 : memref<10000x128xf32, #tpu.memory_space<vmem_shared>>) target_semaphore(%run_scoped3A : memref<!tpu.dma_semaphore, #tpu.memory_space<semaphore_mem>>)
        tpu.wait_dma2 semaphore(%run_scoped3A : memref<!tpu.dma_semaphore, #tpu.memory_space<semaphore_mem>>) src(%arg4 : memref<10000x128xf32, #tpu.memory_space<hbm>>) dst(%arg14 : memref<10000x128xf32, #tpu.memory_space<vmem_shared>>)
        tpu.yield
      }) : () -> ()
    } else {
    }
    %barrier3A = arith.constant 0 : index
    tpu.barrier barrier_id(%barrier3A)
    %add3A_5 = arith.constant 0 : i32
    %add3A_6 = arith.addi %mul3A_2, %add3A_5 : i32
    %dma_start3A = tpu.memref_slice %arg3[%add3A_6] : memref<160000xi32, #tpu.memory_space<hbm>> -> memref<40xi32, #tpu.memory_space<hbm>>
    %dma_start3A_7 = tpu.memref_slice %arg3[%add3A_6] : memref<160000xi32, #tpu.memory_space<hbm>> -> memref<40xi32, #tpu.memory_space<hbm>>
    tpu.enqueue_dma source(%dma_start3A_7 : memref<40xi32, #tpu.memory_space<hbm>>) target(%arg7 : memref<40xi32, #tpu.memory_space<vmem>>) target_semaphore(%arg15 : memref<!tpu.dma_semaphore, #tpu.memory_space<semaphore_mem>>)
    %dma_start3A_8 = arith.constant 0 : i32
    %dma_start3A_9 = tpu.memref_slice %arg2[%add3A_6, %dma_start3A_8] : memref<160000x128xf32, #tpu.memory_space<hbm>> -> memref<40x128xf32, #tpu.memory_space<hbm>>
    %dma_start3A_10 = arith.constant 0 : i32
    %dma_start3A_11 = tpu.memref_slice %arg2[%add3A_6, %dma_start3A_10] : memref<160000x128xf32, #tpu.memory_space<hbm>> -> memref<40x128xf32, #tpu.memory_space<hbm>>
    tpu.enqueue_dma source(%dma_start3A_11 : memref<40x128xf32, #tpu.memory_space<hbm>>) target(%arg6 : memref<40x128xf32, #tpu.memory_space<vmem>>) target_semaphore(%arg15 : memref<!tpu.dma_semaphore, #tpu.memory_space<semaphore_mem>>)
    %add3A_12 = arith.constant 40 : i32
    %add3A_13 = arith.addi %mul3A_2, %add3A_12 : i32
    %dma_start3A_14 = tpu.memref_slice %arg3[%add3A_13] : memref<160000xi32, #tpu.memory_space<hbm>> -> memref<40xi32, #tpu.memory_space<hbm>>
    %dma_start3A_15 = tpu.memref_slice %arg3[%add3A_13] : memref<160000xi32, #tpu.memory_space<hbm>> -> memref<40xi32, #tpu.memory_space<hbm>>
    tpu.enqueue_dma source(%dma_start3A_15 : memref<40xi32, #tpu.memory_space<hbm>>) target(%arg9 : memref<40xi32, #tpu.memory_space<vmem>>) target_semaphore(%arg16 : memref<!tpu.dma_semaphore, #tpu.memory_space<semaphore_mem>>)
    %dma_start3A_16 = arith.constant 0 : i32
    %dma_start3A_17 = tpu.memref_slice %arg2[%add3A_13, %dma_start3A_16] : memref<160000x128xf32, #tpu.memory_space<hbm>> -> memref<40x128xf32, #tpu.memory_space<hbm>>
    %dma_start3A_18 = arith.constant 0 : i32
    %dma_start3A_19 = tpu.memref_slice %arg2[%add3A_13, %dma_start3A_18] : memref<160000x128xf32, #tpu.memory_space<hbm>> -> memref<40x128xf32, #tpu.memory_space<hbm>>
    tpu.enqueue_dma source(%dma_start3A_19 : memref<40x128xf32, #tpu.memory_space<hbm>>) target(%arg8 : memref<40x128xf32, #tpu.memory_space<vmem>>) target_semaphore(%arg16 : memref<!tpu.dma_semaphore, #tpu.memory_space<semaphore_mem>>)
    %add3A_20 = arith.constant 80 : i32
    %add3A_21 = arith.addi %mul3A_2, %add3A_20 : i32
    %dma_start3A_22 = tpu.memref_slice %arg3[%add3A_21] : memref<160000xi32, #tpu.memory_space<hbm>> -> memref<40xi32, #tpu.memory_space<hbm>>
    %dma_start3A_23 = tpu.memref_slice %arg3[%add3A_21] : memref<160000xi32, #tpu.memory_space<hbm>> -> memref<40xi32, #tpu.memory_space<hbm>>
    tpu.enqueue_dma source(%dma_start3A_23 : memref<40xi32, #tpu.memory_space<hbm>>) target(%arg11 : memref<40xi32, #tpu.memory_space<vmem>>) target_semaphore(%arg17 : memref<!tpu.dma_semaphore, #tpu.memory_space<semaphore_mem>>)
    %dma_start3A_24 = arith.constant 0 : i32
    %dma_start3A_25 = tpu.memref_slice %arg2[%add3A_21, %dma_start3A_24] : memref<160000x128xf32, #tpu.memory_space<hbm>> -> memref<40x128xf32, #tpu.memory_space<hbm>>
    %dma_start3A_26 = arith.constant 0 : i32
    %dma_start3A_27 = tpu.memref_slice %arg2[%add3A_21, %dma_start3A_26] : memref<160000x128xf32, #tpu.memory_space<hbm>> -> memref<40x128xf32, #tpu.memory_space<hbm>>
    tpu.enqueue_dma source(%dma_start3A_27 : memref<40x128xf32, #tpu.memory_space<hbm>>) target(%arg10 : memref<40x128xf32, #tpu.memory_space<vmem>>) target_semaphore(%arg17 : memref<!tpu.dma_semaphore, #tpu.memory_space<semaphore_mem>>)
    %scan3A = arith.constant 0 : i32
    %scan3A_28 = arith.constant 0 : i32
    %scan3A_29 = arith.constant 31 : i32
    %scan3A_30 = arith.addi %scan3A_28, %scan3A_29 : i32
    %scan3A_31 = arith.constant 1 : i32
    scf.for %scan3A_48 = %scan3A_28 to %scan3A_30 step %scan3A_31  : i32 {
      %mul3A_49 = arith.constant 4 : i32
      %mul3A_50 = arith.muli %mul3A_49, %scan3A_48 : i32
      %add3A_51 = arith.constant 0 : i32
      %add3A_52 = arith.addi %mul3A_50, %add3A_51 : i32
      %add3A_53 = arith.constant 4 : i32
      %add3A_54 = arith.addi %add3A_52, %add3A_53 : i32
      %sub3A = arith.constant 1 : i32
      %sub3A_55 = arith.subi %add3A_54, %sub3A : i32
      %lt3A = arith.constant 125 : i32
      %lt3A_56 = arith.cmpi slt, %sub3A_55, %lt3A : i32
      %convert_element_type3A_57 = arith.extui %lt3A_56 : i1 to i32
      %cond3A_58 = arith.constant 0 : i32
      %cond3A_59 = arith.cmpi ne, %convert_element_type3A_57, %cond3A_58 : i32
      scf.if %cond3A_59 {
        %add3A_129 = arith.constant 4 : i32
        %add3A_130 = arith.addi %add3A_52, %add3A_129 : i32
        %sub3A_131 = arith.constant 1 : i32
        %sub3A_132 = arith.subi %add3A_130, %sub3A_131 : i32
        %mul3A_133 = arith.constant 40 : i32
        %mul3A_134 = arith.muli %sub3A_132, %mul3A_133 : i32
        %add3A_135 = arith.addi %mul3A_2, %mul3A_134 : i32
        %dma_start3A_136 = tpu.memref_slice %arg3[%add3A_135] : memref<160000xi32, #tpu.memory_space<hbm>> -> memref<40xi32, #tpu.memory_space<hbm>>
        %dma_start3A_137 = tpu.memref_slice %arg3[%add3A_135] : memref<160000xi32, #tpu.memory_space<hbm>> -> memref<40xi32, #tpu.memory_space<hbm>>
        tpu.enqueue_dma source(%dma_start3A_137 : memref<40xi32, #tpu.memory_space<hbm>>) target(%arg13 : memref<40xi32, #tpu.memory_space<vmem>>) target_semaphore(%arg18 : memref<!tpu.dma_semaphore, #tpu.memory_space<semaphore_mem>>)
        %dma_start3A_138 = arith.constant 0 : i32
        %dma_start3A_139 = tpu.memref_slice %arg2[%add3A_135, %dma_start3A_138] : memref<160000x128xf32, #tpu.memory_space<hbm>> -> memref<40x128xf32, #tpu.memory_space<hbm>>
        %dma_start3A_140 = arith.constant 0 : i32
        %dma_start3A_141 = tpu.memref_slice %arg2[%add3A_135, %dma_start3A_140] : memref<160000x128xf32, #tpu.memory_space<hbm>> -> memref<40x128xf32, #tpu.memory_space<hbm>>
        tpu.enqueue_dma source(%dma_start3A_141 : memref<40x128xf32, #tpu.memory_space<hbm>>) target(%arg12 : memref<40x128xf32, #tpu.memory_space<vmem>>) target_semaphore(%arg18 : memref<!tpu.dma_semaphore, #tpu.memory_space<semaphore_mem>>)
      } else {
      }
      %mul3A_60 = arith.constant 40 : i32
      %mul3A_61 = arith.muli %add3A_52, %mul3A_60 : i32
      %add3A_62 = arith.addi %mul3A_2, %mul3A_61 : i32
      %dma_wait3A_63 = tpu.memref_slice %arg3[%add3A_62] : memref<160000xi32, #tpu.memory_space<hbm>> -> memref<40xi32, #tpu.memory_space<hbm>>
      %dma_wait3A_64 = tpu.memref_slice %arg3[%add3A_62] : memref<160000xi32, #tpu.memory_space<hbm>> -> memref<40xi32, #tpu.memory_space<hbm>>
      tpu.wait_dma2 semaphore(%arg15 : memref<!tpu.dma_semaphore, #tpu.memory_space<semaphore_mem>>) src(%dma_wait3A_64 : memref<40xi32, #tpu.memory_space<hbm>>) dst(%arg7 : memref<40xi32, #tpu.memory_space<vmem>>)
      %dma_wait3A_65 = arith.constant 0 : i32
      %dma_wait3A_66 = tpu.memref_slice %arg2[%add3A_62, %dma_wait3A_65] : memref<160000x128xf32, #tpu.memory_space<hbm>> -> memref<40x128xf32, #tpu.memory_space<hbm>>
      %dma_wait3A_67 = arith.constant 0 : i32
      %dma_wait3A_68 = tpu.memref_slice %arg2[%add3A_62, %dma_wait3A_67] : memref<160000x128xf32, #tpu.memory_space<hbm>> -> memref<40x128xf32, #tpu.memory_space<hbm>>
      tpu.wait_dma2 semaphore(%arg15 : memref<!tpu.dma_semaphore, #tpu.memory_space<semaphore_mem>>) src(%dma_wait3A_68 : memref<40x128xf32, #tpu.memory_space<hbm>>) dst(%arg6 : memref<40x128xf32, #tpu.memory_space<vmem>>)
      "tpu.region"() ({
        %run_scoped3A = tpu.sem_alloc : memref<!tpu.dma_semaphore, #tpu.memory_space<semaphore_mem>>
        %dma_start3A_129 = arith.constant 0 : i32
        %dma_start3A_130 = arith.constant 0 : i32
        %dma_start3A_131 = tpu.memref_slice %arg14[%dma_start3A_129, %dma_start3A_130] : memref<10000x128xf32, #tpu.memory_space<vmem_shared>> -> memref<10000x128xf32, #tpu.memory_space<vmem_shared>>
        tpu.enqueue_indirect_dma source(%arg6 : memref<40x128xf32, #tpu.memory_space<vmem>>) target(%dma_start3A_131 : memref<10000x128xf32, #tpu.memory_space<vmem_shared>>) offsets(%arg7 : memref<40xi32, #tpu.memory_space<vmem>>) semaphore(%run_scoped3A : memref<!tpu.dma_semaphore, #tpu.memory_space<semaphore_mem>>) {add = true}
        %dma_wait3A_132 = arith.constant 0 : i32
        %dma_wait3A_133 = arith.constant 0 : i32
        %dma_wait3A_134 = tpu.memref_slice %arg14[%dma_wait3A_132, %dma_wait3A_133] : memref<10000x128xf32, #tpu.memory_space<vmem_shared>> -> memref<10000x128xf32, #tpu.memory_space<vmem_shared>>
        tpu.wait_indirect_dma semaphore(%run_scoped3A : memref<!tpu.dma_semaphore, #tpu.memory_space<semaphore_mem>>) src(%arg6 : memref<40x128xf32, #tpu.memory_space<vmem>>) dst(%dma_wait3A_134 : memref<10000x128xf32, #tpu.memory_space<vmem_shared>>)
        tpu.yield
      }) : () -> ()
      %add3A_69 = arith.constant 1 : i32
      %add3A_70 = arith.addi %mul3A_50, %add3A_69 : i32
      %add3A_71 = arith.constant 4 : i32
      %add3A_72 = arith.addi %add3A_70, %add3A_71 : i32
      %sub3A_73 = arith.constant 1 : i32
      %sub3A_74 = arith.subi %add3A_72, %sub3A_73 : i32
      %lt3A_75 = arith.constant 125 : i32
      %lt3A_76 = arith.cmpi slt, %sub3A_74, %lt3A_75 : i32
      %convert_element_type3A_77 = arith.extui %lt3A_76 : i1 to i32
      %cond3A_78 = arith.constant 0 : i32
      %cond3A_79 = arith.cmpi ne, %convert_element_type3A_77, %cond3A_78 : i32
      scf.if %cond3A_79 {
        %add3A_129 = arith.constant 4 : i32
        %add3A_130 = arith.addi %add3A_70, %add3A_129 : i32
        %sub3A_131 = arith.constant 1 : i32
        %sub3A_132 = arith.subi %add3A_130, %sub3A_131 : i32
        %mul3A_133 = arith.constant 40 : i32
        %mul3A_134 = arith.muli %sub3A_132, %mul3A_133 : i32
        %add3A_135 = arith.addi %mul3A_2, %mul3A_134 : i32
        %dma_start3A_136 = tpu.memref_slice %arg3[%add3A_135] : memref<160000xi32, #tpu.memory_space<hbm>> -> memref<40xi32, #tpu.memory_space<hbm>>
        %dma_start3A_137 = tpu.memref_slice %arg3[%add3A_135] : memref<160000xi32, #tpu.memory_space<hbm>> -> memref<40xi32, #tpu.memory_space<hbm>>
        tpu.enqueue_dma source(%dma_start3A_137 : memref<40xi32, #tpu.memory_space<hbm>>) target(%arg7 : memref<40xi32, #tpu.memory_space<vmem>>) target_semaphore(%arg15 : memref<!tpu.dma_semaphore, #tpu.memory_space<semaphore_mem>>)
        %dma_start3A_138 = arith.constant 0 : i32
        %dma_start3A_139 = tpu.memref_slice %arg2[%add3A_135, %dma_start3A_138] : memref<160000x128xf32, #tpu.memory_space<hbm>> -> memref<40x128xf32, #tpu.memory_space<hbm>>
        %dma_start3A_140 = arith.constant 0 : i32
        %dma_start3A_141 = tpu.memref_slice %arg2[%add3A_135, %dma_start3A_140] : memref<160000x128xf32, #tpu.memory_space<hbm>> -> memref<40x128xf32, #tpu.memory_space<hbm>>
        tpu.enqueue_dma source(%dma_start3A_141 : memref<40x128xf32, #tpu.memory_space<hbm>>) target(%arg6 : memref<40x128xf32, #tpu.memory_space<vmem>>) target_semaphore(%arg15 : memref<!tpu.dma_semaphore, #tpu.memory_space<semaphore_mem>>)
      } else {
      }
      %mul3A_80 = arith.constant 40 : i32
      %mul3A_81 = arith.muli %add3A_70, %mul3A_80 : i32
      %add3A_82 = arith.addi %mul3A_2, %mul3A_81 : i32
      %dma_wait3A_83 = tpu.memref_slice %arg3[%add3A_82] : memref<160000xi32, #tpu.memory_space<hbm>> -> memref<40xi32, #tpu.memory_space<hbm>>
      %dma_wait3A_84 = tpu.memref_slice %arg3[%add3A_82] : memref<160000xi32, #tpu.memory_space<hbm>> -> memref<40xi32, #tpu.memory_space<hbm>>
      tpu.wait_dma2 semaphore(%arg16 : memref<!tpu.dma_semaphore, #tpu.memory_space<semaphore_mem>>) src(%dma_wait3A_84 : memref<40xi32, #tpu.memory_space<hbm>>) dst(%arg9 : memref<40xi32, #tpu.memory_space<vmem>>)
      %dma_wait3A_85 = arith.constant 0 : i32
      %dma_wait3A_86 = tpu.memref_slice %arg2[%add3A_82, %dma_wait3A_85] : memref<160000x128xf32, #tpu.memory_space<hbm>> -> memref<40x128xf32, #tpu.memory_space<hbm>>
      %dma_wait3A_87 = arith.constant 0 : i32
      %dma_wait3A_88 = tpu.memref_slice %arg2[%add3A_82, %dma_wait3A_87] : memref<160000x128xf32, #tpu.memory_space<hbm>> -> memref<40x128xf32, #tpu.memory_space<hbm>>
      tpu.wait_dma2 semaphore(%arg16 : memref<!tpu.dma_semaphore, #tpu.memory_space<semaphore_mem>>) src(%dma_wait3A_88 : memref<40x128xf32, #tpu.memory_space<hbm>>) dst(%arg8 : memref<40x128xf32, #tpu.memory_space<vmem>>)
      "tpu.region"() ({
        %run_scoped3A = tpu.sem_alloc : memref<!tpu.dma_semaphore, #tpu.memory_space<semaphore_mem>>
        %dma_start3A_129 = arith.constant 0 : i32
        %dma_start3A_130 = arith.constant 0 : i32
        %dma_start3A_131 = tpu.memref_slice %arg14[%dma_start3A_129, %dma_start3A_130] : memref<10000x128xf32, #tpu.memory_space<vmem_shared>> -> memref<10000x128xf32, #tpu.memory_space<vmem_shared>>
        tpu.enqueue_indirect_dma source(%arg8 : memref<40x128xf32, #tpu.memory_space<vmem>>) target(%dma_start3A_131 : memref<10000x128xf32, #tpu.memory_space<vmem_shared>>) offsets(%arg9 : memref<40xi32, #tpu.memory_space<vmem>>) semaphore(%run_scoped3A : memref<!tpu.dma_semaphore, #tpu.memory_space<semaphore_mem>>) {add = true}
        %dma_wait3A_132 = arith.constant 0 : i32
        %dma_wait3A_133 = arith.constant 0 : i32
        %dma_wait3A_134 = tpu.memref_slice %arg14[%dma_wait3A_132, %dma_wait3A_133] : memref<10000x128xf32, #tpu.memory_space<vmem_shared>> -> memref<10000x128xf32, #tpu.memory_space<vmem_shared>>
        tpu.wait_indirect_dma semaphore(%run_scoped3A : memref<!tpu.dma_semaphore, #tpu.memory_space<semaphore_mem>>) src(%arg8 : memref<40x128xf32, #tpu.memory_space<vmem>>) dst(%dma_wait3A_134 : memref<10000x128xf32, #tpu.memory_space<vmem_shared>>)
        tpu.yield
      }) : () -> ()
      %add3A_89 = arith.constant 2 : i32
      %add3A_90 = arith.addi %mul3A_50, %add3A_89 : i32
      %add3A_91 = arith.constant 4 : i32
      %add3A_92 = arith.addi %add3A_90, %add3A_91 : i32
      %sub3A_93 = arith.constant 1 : i32
      %sub3A_94 = arith.subi %add3A_92, %sub3A_93 : i32
      %lt3A_95 = arith.constant 125 : i32
      %lt3A_96 = arith.cmpi slt, %sub3A_94, %lt3A_95 : i32
      %convert_element_type3A_97 = arith.extui %lt3A_96 : i1 to i32
      %cond3A_98 = arith.constant 0 : i32
      %cond3A_99 = arith.cmpi ne, %convert_element_type3A_97, %cond3A_98 : i32
      scf.if %cond3A_99 {
        %add3A_129 = arith.constant 4 : i32
        %add3A_130 = arith.addi %add3A_90, %add3A_129 : i32
        %sub3A_131 = arith.constant 1 : i32
        %sub3A_132 = arith.subi %add3A_130, %sub3A_131 : i32
        %mul3A_133 = arith.constant 40 : i32
        %mul3A_134 = arith.muli %sub3A_132, %mul3A_133 : i32
        %add3A_135 = arith.addi %mul3A_2, %mul3A_134 : i32
        %dma_start3A_136 = tpu.memref_slice %arg3[%add3A_135] : memref<160000xi32, #tpu.memory_space<hbm>> -> memref<40xi32, #tpu.memory_space<hbm>>
        %dma_start3A_137 = tpu.memref_slice %arg3[%add3A_135] : memref<160000xi32, #tpu.memory_space<hbm>> -> memref<40xi32, #tpu.memory_space<hbm>>
        tpu.enqueue_dma source(%dma_start3A_137 : memref<40xi32, #tpu.memory_space<hbm>>) target(%arg9 : memref<40xi32, #tpu.memory_space<vmem>>) target_semaphore(%arg16 : memref<!tpu.dma_semaphore, #tpu.memory_space<semaphore_mem>>)
        %dma_start3A_138 = arith.constant 0 : i32
        %dma_start3A_139 = tpu.memref_slice %arg2[%add3A_135, %dma_start3A_138] : memref<160000x128xf32, #tpu.memory_space<hbm>> -> memref<40x128xf32, #tpu.memory_space<hbm>>
        %dma_start3A_140 = arith.constant 0 : i32
        %dma_start3A_141 = tpu.memref_slice %arg2[%add3A_135, %dma_start3A_140] : memref<160000x128xf32, #tpu.memory_space<hbm>> -> memref<40x128xf32, #tpu.memory_space<hbm>>
        tpu.enqueue_dma source(%dma_start3A_141 : memref<40x128xf32, #tpu.memory_space<hbm>>) target(%arg8 : memref<40x128xf32, #tpu.memory_space<vmem>>) target_semaphore(%arg16 : memref<!tpu.dma_semaphore, #tpu.memory_space<semaphore_mem>>)
      } else {
      }
      %mul3A_100 = arith.constant 40 : i32
      %mul3A_101 = arith.muli %add3A_90, %mul3A_100 : i32
      %add3A_102 = arith.addi %mul3A_2, %mul3A_101 : i32
      %dma_wait3A_103 = tpu.memref_slice %arg3[%add3A_102] : memref<160000xi32, #tpu.memory_space<hbm>> -> memref<40xi32, #tpu.memory_space<hbm>>
      %dma_wait3A_104 = tpu.memref_slice %arg3[%add3A_102] : memref<160000xi32, #tpu.memory_space<hbm>> -> memref<40xi32, #tpu.memory_space<hbm>>
      tpu.wait_dma2 semaphore(%arg17 : memref<!tpu.dma_semaphore, #tpu.memory_space<semaphore_mem>>) src(%dma_wait3A_104 : memref<40xi32, #tpu.memory_space<hbm>>) dst(%arg11 : memref<40xi32, #tpu.memory_space<vmem>>)
      %dma_wait3A_105 = arith.constant 0 : i32
      %dma_wait3A_106 = tpu.memref_slice %arg2[%add3A_102, %dma_wait3A_105] : memref<160000x128xf32, #tpu.memory_space<hbm>> -> memref<40x128xf32, #tpu.memory_space<hbm>>
      %dma_wait3A_107 = arith.constant 0 : i32
      %dma_wait3A_108 = tpu.memref_slice %arg2[%add3A_102, %dma_wait3A_107] : memref<160000x128xf32, #tpu.memory_space<hbm>> -> memref<40x128xf32, #tpu.memory_space<hbm>>
      tpu.wait_dma2 semaphore(%arg17 : memref<!tpu.dma_semaphore, #tpu.memory_space<semaphore_mem>>) src(%dma_wait3A_108 : memref<40x128xf32, #tpu.memory_space<hbm>>) dst(%arg10 : memref<40x128xf32, #tpu.memory_space<vmem>>)
      "tpu.region"() ({
        %run_scoped3A = tpu.sem_alloc : memref<!tpu.dma_semaphore, #tpu.memory_space<semaphore_mem>>
        %dma_start3A_129 = arith.constant 0 : i32
        %dma_start3A_130 = arith.constant 0 : i32
        %dma_start3A_131 = tpu.memref_slice %arg14[%dma_start3A_129, %dma_start3A_130] : memref<10000x128xf32, #tpu.memory_space<vmem_shared>> -> memref<10000x128xf32, #tpu.memory_space<vmem_shared>>
        tpu.enqueue_indirect_dma source(%arg10 : memref<40x128xf32, #tpu.memory_space<vmem>>) target(%dma_start3A_131 : memref<10000x128xf32, #tpu.memory_space<vmem_shared>>) offsets(%arg11 : memref<40xi32, #tpu.memory_space<vmem>>) semaphore(%run_scoped3A : memref<!tpu.dma_semaphore, #tpu.memory_space<semaphore_mem>>) {add = true}
        %dma_wait3A_132 = arith.constant 0 : i32
        %dma_wait3A_133 = arith.constant 0 : i32
        %dma_wait3A_134 = tpu.memref_slice %arg14[%dma_wait3A_132, %dma_wait3A_133] : memref<10000x128xf32, #tpu.memory_space<vmem_shared>> -> memref<10000x128xf32, #tpu.memory_space<vmem_shared>>
        tpu.wait_indirect_dma semaphore(%run_scoped3A : memref<!tpu.dma_semaphore, #tpu.memory_space<semaphore_mem>>) src(%arg10 : memref<40x128xf32, #tpu.memory_space<vmem>>) dst(%dma_wait3A_134 : memref<10000x128xf32, #tpu.memory_space<vmem_shared>>)
        tpu.yield
      }) : () -> ()
      %add3A_109 = arith.constant 3 : i32
      %add3A_110 = arith.addi %mul3A_50, %add3A_109 : i32
      %add3A_111 = arith.constant 4 : i32
      %add3A_112 = arith.addi %add3A_110, %add3A_111 : i32
      %sub3A_113 = arith.constant 1 : i32
      %sub3A_114 = arith.subi %add3A_112, %sub3A_113 : i32
      %lt3A_115 = arith.constant 125 : i32
      %lt3A_116 = arith.cmpi slt, %sub3A_114, %lt3A_115 : i32
      %convert_element_type3A_117 = arith.extui %lt3A_116 : i1 to i32
      %cond3A_118 = arith.constant 0 : i32
      %cond3A_119 = arith.cmpi ne, %convert_element_type3A_117, %cond3A_118 : i32
      scf.if %cond3A_119 {
        %add3A_129 = arith.constant 4 : i32
        %add3A_130 = arith.addi %add3A_110, %add3A_129 : i32
        %sub3A_131 = arith.constant 1 : i32
        %sub3A_132 = arith.subi %add3A_130, %sub3A_131 : i32
        %mul3A_133 = arith.constant 40 : i32
        %mul3A_134 = arith.muli %sub3A_132, %mul3A_133 : i32
        %add3A_135 = arith.addi %mul3A_2, %mul3A_134 : i32
        %dma_start3A_136 = tpu.memref_slice %arg3[%add3A_135] : memref<160000xi32, #tpu.memory_space<hbm>> -> memref<40xi32, #tpu.memory_space<hbm>>
        %dma_start3A_137 = tpu.memref_slice %arg3[%add3A_135] : memref<160000xi32, #tpu.memory_space<hbm>> -> memref<40xi32, #tpu.memory_space<hbm>>
        tpu.enqueue_dma source(%dma_start3A_137 : memref<40xi32, #tpu.memory_space<hbm>>) target(%arg11 : memref<40xi32, #tpu.memory_space<vmem>>) target_semaphore(%arg17 : memref<!tpu.dma_semaphore, #tpu.memory_space<semaphore_mem>>)
        %dma_start3A_138 = arith.constant 0 : i32
        %dma_start3A_139 = tpu.memref_slice %arg2[%add3A_135, %dma_start3A_138] : memref<160000x128xf32, #tpu.memory_space<hbm>> -> memref<40x128xf32, #tpu.memory_space<hbm>>
        %dma_start3A_140 = arith.constant 0 : i32
        %dma_start3A_141 = tpu.memref_slice %arg2[%add3A_135, %dma_start3A_140] : memref<160000x128xf32, #tpu.memory_space<hbm>> -> memref<40x128xf32, #tpu.memory_space<hbm>>
        tpu.enqueue_dma source(%dma_start3A_141 : memref<40x128xf32, #tpu.memory_space<hbm>>) target(%arg10 : memref<40x128xf32, #tpu.memory_space<vmem>>) target_semaphore(%arg17 : memref<!tpu.dma_semaphore, #tpu.memory_space<semaphore_mem>>)
      } else {
      }
      %mul3A_120 = arith.constant 40 : i32
      %mul3A_121 = arith.muli %add3A_110, %mul3A_120 : i32
      %add3A_122 = arith.addi %mul3A_2, %mul3A_121 : i32
      %dma_wait3A_123 = tpu.memref_slice %arg3[%add3A_122] : memref<160000xi32, #tpu.memory_space<hbm>> -> memref<40xi32, #tpu.memory_space<hbm>>
      %dma_wait3A_124 = tpu.memref_slice %arg3[%add3A_122] : memref<160000xi32, #tpu.memory_space<hbm>> -> memref<40xi32, #tpu.memory_space<hbm>>
      tpu.wait_dma2 semaphore(%arg18 : memref<!tpu.dma_semaphore, #tpu.memory_space<semaphore_mem>>) src(%dma_wait3A_124 : memref<40xi32, #tpu.memory_space<hbm>>) dst(%arg13 : memref<40xi32, #tpu.memory_space<vmem>>)
      %dma_wait3A_125 = arith.constant 0 : i32
      %dma_wait3A_126 = tpu.memref_slice %arg2[%add3A_122, %dma_wait3A_125] : memref<160000x128xf32, #tpu.memory_space<hbm>> -> memref<40x128xf32, #tpu.memory_space<hbm>>
      %dma_wait3A_127 = arith.constant 0 : i32
      %dma_wait3A_128 = tpu.memref_slice %arg2[%add3A_122, %dma_wait3A_127] : memref<160000x128xf32, #tpu.memory_space<hbm>> -> memref<40x128xf32, #tpu.memory_space<hbm>>
      tpu.wait_dma2 semaphore(%arg18 : memref<!tpu.dma_semaphore, #tpu.memory_space<semaphore_mem>>) src(%dma_wait3A_128 : memref<40x128xf32, #tpu.memory_space<hbm>>) dst(%arg12 : memref<40x128xf32, #tpu.memory_space<vmem>>)
      "tpu.region"() ({
        %run_scoped3A = tpu.sem_alloc : memref<!tpu.dma_semaphore, #tpu.memory_space<semaphore_mem>>
        %dma_start3A_129 = arith.constant 0 : i32
        %dma_start3A_130 = arith.constant 0 : i32
        %dma_start3A_131 = tpu.memref_slice %arg14[%dma_start3A_129, %dma_start3A_130] : memref<10000x128xf32, #tpu.memory_space<vmem_shared>> -> memref<10000x128xf32, #tpu.memory_space<vmem_shared>>
        tpu.enqueue_indirect_dma source(%arg12 : memref<40x128xf32, #tpu.memory_space<vmem>>) target(%dma_start3A_131 : memref<10000x128xf32, #tpu.memory_space<vmem_shared>>) offsets(%arg13 : memref<40xi32, #tpu.memory_space<vmem>>) semaphore(%run_scoped3A : memref<!tpu.dma_semaphore, #tpu.memory_space<semaphore_mem>>) {add = true}
        %dma_wait3A_132 = arith.constant 0 : i32
        %dma_wait3A_133 = arith.constant 0 : i32
        %dma_wait3A_134 = tpu.memref_slice %arg14[%dma_wait3A_132, %dma_wait3A_133] : memref<10000x128xf32, #tpu.memory_space<vmem_shared>> -> memref<10000x128xf32, #tpu.memory_space<vmem_shared>>
        tpu.wait_indirect_dma semaphore(%run_scoped3A : memref<!tpu.dma_semaphore, #tpu.memory_space<semaphore_mem>>) src(%arg12 : memref<40x128xf32, #tpu.memory_space<vmem>>) dst(%dma_wait3A_134 : memref<10000x128xf32, #tpu.memory_space<vmem_shared>>)
        tpu.yield
      }) : () -> ()
    }
    %scan3A_32 = arith.constant 31 : i32
    %add3A_33 = arith.constant 4960 : i32
    %add3A_34 = arith.addi %mul3A_2, %add3A_33 : i32
    %dma_wait3A = tpu.memref_slice %arg3[%add3A_34] : memref<160000xi32, #tpu.memory_space<hbm>> -> memref<40xi32, #tpu.memory_space<hbm>>
    %dma_wait3A_35 = tpu.memref_slice %arg3[%add3A_34] : memref<160000xi32, #tpu.memory_space<hbm>> -> memref<40xi32, #tpu.memory_space<hbm>>
    tpu.wait_dma2 semaphore(%arg15 : memref<!tpu.dma_semaphore, #tpu.memory_space<semaphore_mem>>) src(%dma_wait3A_35 : memref<40xi32, #tpu.memory_space<hbm>>) dst(%arg7 : memref<40xi32, #tpu.memory_space<vmem>>)
    %dma_wait3A_36 = arith.constant 0 : i32
    %dma_wait3A_37 = tpu.memref_slice %arg2[%add3A_34, %dma_wait3A_36] : memref<160000x128xf32, #tpu.memory_space<hbm>> -> memref<40x128xf32, #tpu.memory_space<hbm>>
    %dma_wait3A_38 = arith.constant 0 : i32
    %dma_wait3A_39 = tpu.memref_slice %arg2[%add3A_34, %dma_wait3A_38] : memref<160000x128xf32, #tpu.memory_space<hbm>> -> memref<40x128xf32, #tpu.memory_space<hbm>>
    tpu.wait_dma2 semaphore(%arg15 : memref<!tpu.dma_semaphore, #tpu.memory_space<semaphore_mem>>) src(%dma_wait3A_39 : memref<40x128xf32, #tpu.memory_space<hbm>>) dst(%arg6 : memref<40x128xf32, #tpu.memory_space<vmem>>)
    "tpu.region"() ({
      %run_scoped3A = tpu.sem_alloc : memref<!tpu.dma_semaphore, #tpu.memory_space<semaphore_mem>>
      %dma_start3A_48 = arith.constant 0 : i32
      %dma_start3A_49 = arith.constant 0 : i32
      %dma_start3A_50 = tpu.memref_slice %arg14[%dma_start3A_48, %dma_start3A_49] : memref<10000x128xf32, #tpu.memory_space<vmem_shared>> -> memref<10000x128xf32, #tpu.memory_space<vmem_shared>>
      tpu.enqueue_indirect_dma source(%arg6 : memref<40x128xf32, #tpu.memory_space<vmem>>) target(%dma_start3A_50 : memref<10000x128xf32, #tpu.memory_space<vmem_shared>>) offsets(%arg7 : memref<40xi32, #tpu.memory_space<vmem>>) semaphore(%run_scoped3A : memref<!tpu.dma_semaphore, #tpu.memory_space<semaphore_mem>>) {add = true}
      %dma_wait3A_51 = arith.constant 0 : i32
      %dma_wait3A_52 = arith.constant 0 : i32
      %dma_wait3A_53 = tpu.memref_slice %arg14[%dma_wait3A_51, %dma_wait3A_52] : memref<10000x128xf32, #tpu.memory_space<vmem_shared>> -> memref<10000x128xf32, #tpu.memory_space<vmem_shared>>
      tpu.wait_indirect_dma semaphore(%run_scoped3A : memref<!tpu.dma_semaphore, #tpu.memory_space<semaphore_mem>>) src(%arg6 : memref<40x128xf32, #tpu.memory_space<vmem>>) dst(%dma_wait3A_53 : memref<10000x128xf32, #tpu.memory_space<vmem_shared>>)
      tpu.yield
    }) : () -> ()
    %barrier3A_40 = arith.constant 0 : index
    tpu.barrier barrier_id(%barrier3A_40)
    %mul3A_41 = arith.constant 624 : i32
    %mul3A_42 = arith.muli %arg1, %mul3A_41 : i32
    "tpu.region"() ({
      %run_scoped3A = tpu.sem_alloc : memref<!tpu.dma_semaphore, #tpu.memory_space<semaphore_mem>>
      %dma_start3A_48 = arith.constant 0 : i32
      %dma_start3A_49 = tpu.memref_slice %arg5[%arg0, %mul3A_42, %dma_start3A_48] : memref<2x10000x128xf32, #tpu.memory_space<hbm>> -> memref<1x624x128xf32, #tpu.memory_space<hbm>>
      %dma_start3A_50 = tpu.memref_squeeze %dma_start3A_49 : memref<1x624x128xf32, #tpu.memory_space<hbm>> -> memref<624x128xf32, #tpu.memory_space<hbm>>
      %dma_start3A_51 = arith.constant 0 : i32
      %dma_start3A_52 = tpu.memref_slice %arg14[%mul3A_42, %dma_start3A_51] : memref<10000x128xf32, #tpu.memory_space<vmem_shared>> -> memref<624x128xf32, #tpu.memory_space<vmem_shared>>
      tpu.enqueue_dma source(%dma_start3A_52 : memref<624x128xf32, #tpu.memory_space<vmem_shared>>) target(%dma_start3A_50 : memref<624x128xf32, #tpu.memory_space<hbm>>) target_semaphore(%run_scoped3A : memref<!tpu.dma_semaphore, #tpu.memory_space<semaphore_mem>>)
      %dma_wait3A_53 = arith.constant 0 : i32
      %dma_wait3A_54 = tpu.memref_slice %arg5[%arg0, %mul3A_42, %dma_wait3A_53] : memref<2x10000x128xf32, #tpu.memory_space<hbm>> -> memref<1x624x128xf32, #tpu.memory_space<hbm>>
      %dma_wait3A_55 = tpu.memref_squeeze %dma_wait3A_54 : memref<1x624x128xf32, #tpu.memory_space<hbm>> -> memref<624x128xf32, #tpu.memory_space<hbm>>
      %dma_wait3A_56 = arith.constant 0 : i32
      %dma_wait3A_57 = tpu.memref_slice %arg14[%mul3A_42, %dma_wait3A_56] : memref<10000x128xf32, #tpu.memory_space<vmem_shared>> -> memref<624x128xf32, #tpu.memory_space<vmem_shared>>
      tpu.wait_dma2 semaphore(%run_scoped3A : memref<!tpu.dma_semaphore, #tpu.memory_space<semaphore_mem>>) src(%dma_wait3A_57 : memref<624x128xf32, #tpu.memory_space<vmem_shared>>) dst(%dma_wait3A_55 : memref<624x128xf32, #tpu.memory_space<hbm>>)
      tpu.yield
    }) : () -> ()
    %eq3A_43 = arith.constant 15 : i32
    %eq3A_44 = arith.cmpi eq, %arg1, %eq3A_43 : i32
    %convert_element_type3A_45 = arith.extui %eq3A_44 : i1 to i32
    %cond3A_46 = arith.constant 0 : i32
    %cond3A_47 = arith.cmpi ne, %convert_element_type3A_45, %cond3A_46 : i32
    scf.if %cond3A_47 {
      "tpu.region"() ({
        %run_scoped3A = tpu.sem_alloc : memref<!tpu.dma_semaphore, #tpu.memory_space<semaphore_mem>>
        %dma_start3A_48 = arith.constant 9984 : i32
        %dma_start3A_49 = arith.constant 0 : i32
        %dma_start3A_50 = tpu.memref_slice %arg5[%arg0, %dma_start3A_48, %dma_start3A_49] : memref<2x10000x128xf32, #tpu.memory_space<hbm>> -> memref<1x16x128xf32, #tpu.memory_space<hbm>>
        %dma_start3A_51 = tpu.memref_squeeze %dma_start3A_50 : memref<1x16x128xf32, #tpu.memory_space<hbm>> -> memref<16x128xf32, #tpu.memory_space<hbm>>
        %dma_start3A_52 = arith.constant 9984 : i32
        %dma_start3A_53 = arith.constant 0 : i32
        %dma_start3A_54 = tpu.memref_slice %arg14[%dma_start3A_52, %dma_start3A_53] : memref<10000x128xf32, #tpu.memory_space<vmem_shared>> -> memref<16x128xf32, #tpu.memory_space<vmem_shared>>
        tpu.enqueue_dma source(%dma_start3A_54 : memref<16x128xf32, #tpu.memory_space<vmem_shared>>) target(%dma_start3A_51 : memref<16x128xf32, #tpu.memory_space<hbm>>) target_semaphore(%run_scoped3A : memref<!tpu.dma_semaphore, #tpu.memory_space<semaphore_mem>>)
        %dma_wait3A_55 = arith.constant 9984 : i32
        %dma_wait3A_56 = arith.constant 0 : i32
        %dma_wait3A_57 = tpu.memref_slice %arg5[%arg0, %dma_wait3A_55, %dma_wait3A_56] : memref<2x10000x128xf32, #tpu.memory_space<hbm>> -> memref<1x16x128xf32, #tpu.memory_space<hbm>>
        %dma_wait3A_58 = tpu.memref_squeeze %dma_wait3A_57 : memref<1x16x128xf32, #tpu.memory_space<hbm>> -> memref<16x128xf32, #tpu.memory_space<hbm>>
        %dma_wait3A_59 = arith.constant 9984 : i32
        %dma_wait3A_60 = arith.constant 0 : i32
        %dma_wait3A_61 = tpu.memref_slice %arg14[%dma_wait3A_59, %dma_wait3A_60] : memref<10000x128xf32, #tpu.memory_space<vmem_shared>> -> memref<16x128xf32, #tpu.memory_space<vmem_shared>>
        tpu.wait_dma2 semaphore(%run_scoped3A : memref<!tpu.dma_semaphore, #tpu.memory_space<semaphore_mem>>) src(%dma_wait3A_61 : memref<16x128xf32, #tpu.memory_space<vmem_shared>>) dst(%dma_wait3A_58 : memref<16x128xf32, #tpu.memory_space<hbm>>)
        tpu.yield
      }) : () -> ()
    } else {
    }
    return
  }
}

module attributes {stable_mosaic.version = 14 : i64} {
  func.func @_tc_edge_body(%arg0: i32, %arg1: memref<1x1x8000xf32, #tpu.memory_space<vmem>>, %arg2: memref<1x1x8000xi32, #tpu.memory_space<vmem>>, %arg3: memref<600x1xf32, #tpu.memory_space<vmem>>, %arg4: memref<96x128xf32, #tpu.memory_space<vmem>>, %arg5: memref<600x128xf32, #tpu.memory_space<vmem>>, %arg6: memref<1x128xf32, #tpu.memory_space<vmem>>, %arg7: memref<128x128xf32, #tpu.memory_space<vmem>>, %arg8: memref<1x128xf32, #tpu.memory_space<vmem>>, %arg9: memref<8000x128xf32, #tpu.memory_space<vmem>>) attributes {dimension_semantics = [#tpu.dimension_semantics<arbitrary>], iteration_bounds = array<i64: 20>, scalar_prefetch = 0 : i64, scratch_operands = 0 : i64, tpu.core_type = #tpu.core_type<tc>, window_params = [{transform_indices = @transform_0, window_bounds = array<i64: 1, 1, 8000>}, {transform_indices = @transform_1, window_bounds = array<i64: 1, 1, 8000>}, {pipeline_mode = #tpu.pipeline_mode<synchronous>, transform_indices = @transform_2, window_bounds = array<i64: 600, 1>}, {pipeline_mode = #tpu.pipeline_mode<synchronous>, transform_indices = @transform_3, window_bounds = array<i64: 96, 128>}, {pipeline_mode = #tpu.pipeline_mode<synchronous>, transform_indices = @transform_4, window_bounds = array<i64: 600, 128>}, {pipeline_mode = #tpu.pipeline_mode<synchronous>, transform_indices = @transform_5, window_bounds = array<i64: 1, 128>}, {pipeline_mode = #tpu.pipeline_mode<synchronous>, transform_indices = @transform_6, window_bounds = array<i64: 128, 128>}, {pipeline_mode = #tpu.pipeline_mode<synchronous>, transform_indices = @transform_7, window_bounds = array<i64: 1, 128>}, {transform_indices = @transform_8, window_bounds = array<i64: 8000, 128>}]} {
    %get3A = arith.constant 0 : index
    %get3A_0 = arith.constant 0 : index
    %get3A_1 = arith.constant 0 : index
    %get3A_2 = vector.load %arg1[%get3A, %get3A_0, %get3A_1] : memref<1x1x8000xf32, #tpu.memory_space<vmem>>, vector<1x1x8000xf32>
    %get3A_3 = vector.shape_cast %get3A_2 : vector<1x1x8000xf32> to vector<1x8000xf32>
    %add3A = arith.constant 9.99999993E-9 : f32
    %add3A_4 = vector.broadcast %add3A : f32 to vector<1x8000xf32>
    %add3A_5 = arith.addf %get3A_3, %add3A_4 : vector<1x8000xf32>
    %sqrt3A = math.sqrt %add3A_5 : vector<1x8000xf32>
    %get3A_6 = arith.constant 0 : index
    %get3A_7 = arith.constant 0 : index
    %get3A_8 = vector.load %arg3[%get3A_6, %get3A_7] : memref<600x1xf32, #tpu.memory_space<vmem>>, vector<600x1xf32>
    %broadcast_in_dim3A = vector.shape_cast %get3A_8 : vector<600x1xf32> to vector<600x1xf32>
    %broadcast_in_dim3A_9 = vector.broadcast %broadcast_in_dim3A : vector<600x1xf32> to vector<600x8000xf32>
    %sub3A = vector.broadcast %sqrt3A : vector<1x8000xf32> to vector<600x8000xf32>
    %sub3A_10 = arith.subf %broadcast_in_dim3A_9, %sub3A : vector<600x8000xf32>
    %mul3A = arith.mulf %sub3A_10, %sub3A_10 : vector<600x8000xf32>
    %mul3A_11 = arith.constant -2588.20215 : f32
    %mul3A_12 = vector.broadcast %mul3A_11 : f32 to vector<600x8000xf32>
    %mul3A_13 = arith.mulf %mul3A, %mul3A_12 : vector<600x8000xf32>
    %exp23A = math.exp2 %mul3A_13 : vector<600x8000xf32>
    %get3A_14 = arith.constant 0 : index
    %get3A_15 = arith.constant 0 : index
    %get3A_16 = vector.load %arg5[%get3A_14, %get3A_15] : memref<600x128xf32, #tpu.memory_space<vmem>>, vector<600x128xf32>
    %dot_general3A = arith.constant dense<0.000000e+00> : vector<8000x128xf32>
    %dot_general3A_17 = tpu.matmul %exp23A, %get3A_16, %dot_general3A {dimension_numbers = #tpu.dot_dimension_numbers<[0], [0], [1], [1], [0, 1, 1, 1], [], []>, transpose_lhs_hint = false} : vector<600x8000xf32>, vector<600x128xf32>, vector<8000x128xf32> -> vector<8000x128xf32>
    %get3A_18 = arith.constant 0 : index
    %get3A_19 = arith.constant 0 : index
    %get3A_20 = vector.load %arg6[%get3A_18, %get3A_19] : memref<1x128xf32, #tpu.memory_space<vmem>>, vector<1x128xf32>
    %add3A_21 = vector.broadcast %get3A_20 : vector<1x128xf32> to vector<8000x128xf32>
    %add3A_22 = arith.addf %dot_general3A_17, %add3A_21 : vector<8000x128xf32>
    %logistic3A = arith.negf %add3A_22 : vector<8000x128xf32>
    %logistic3A_23 = math.exp %logistic3A : vector<8000x128xf32>
    %logistic3A_24 = arith.constant 1.000000e+00 : f32
    %logistic3A_25 = vector.broadcast %logistic3A_24 : f32 to vector<8000x128xf32>
    %logistic3A_26 = arith.addf %logistic3A_25, %logistic3A_23 : vector<8000x128xf32>
    %logistic3A_27 = arith.divf %logistic3A_25, %logistic3A_26 : vector<8000x128xf32>
    %mul3A_28 = arith.mulf %add3A_22, %logistic3A_27 : vector<8000x128xf32>
    %get3A_29 = arith.constant 0 : index
    %get3A_30 = arith.constant 0 : index
    %get3A_31 = vector.load %arg7[%get3A_29, %get3A_30] : memref<128x128xf32, #tpu.memory_space<vmem>>, vector<128x128xf32>
    %dot_general3A_32 = arith.constant dense<0.000000e+00> : vector<8000x128xf32>
    %dot_general3A_33 = tpu.matmul %mul3A_28, %get3A_31, %dot_general3A_32 {dimension_numbers = #tpu.dot_dimension_numbers<[1], [0], [0], [1], [0, 0, 1, 1], [], []>, transpose_lhs_hint = false} : vector<8000x128xf32>, vector<128x128xf32>, vector<8000x128xf32> -> vector<8000x128xf32>
    %get3A_34 = arith.constant 0 : index
    %get3A_35 = arith.constant 0 : index
    %get3A_36 = vector.load %arg8[%get3A_34, %get3A_35] : memref<1x128xf32, #tpu.memory_space<vmem>>, vector<1x128xf32>
    %add3A_37 = vector.broadcast %get3A_36 : vector<1x128xf32> to vector<8000x128xf32>
    %add3A_38 = arith.addf %dot_general3A_33, %add3A_37 : vector<8000x128xf32>
    %logistic3A_39 = arith.negf %add3A_38 : vector<8000x128xf32>
    %logistic3A_40 = math.exp %logistic3A_39 : vector<8000x128xf32>
    %logistic3A_41 = arith.constant 1.000000e+00 : f32
    %logistic3A_42 = vector.broadcast %logistic3A_41 : f32 to vector<8000x128xf32>
    %logistic3A_43 = arith.addf %logistic3A_42, %logistic3A_40 : vector<8000x128xf32>
    %logistic3A_44 = arith.divf %logistic3A_42, %logistic3A_43 : vector<8000x128xf32>
    %mul3A_45 = arith.mulf %add3A_38, %logistic3A_44 : vector<8000x128xf32>
    %get3A_46 = arith.constant 0 : index
    %get3A_47 = arith.constant 0 : index
    %get3A_48 = arith.constant 0 : index
    %get3A_49 = vector.load %arg2[%get3A_46, %get3A_47, %get3A_48] : memref<1x1x8000xi32, #tpu.memory_space<vmem>>, vector<1x1x8000xi32>
    %get3A_50 = vector.shape_cast %get3A_49 : vector<1x1x8000xi32> to vector<1x8000xi32>
    %iota3A = tpu.iota {dimensions = array<i32: 0>} : vector<96x8000xi32>
    %eq3A = vector.broadcast %get3A_50 : vector<1x8000xi32> to vector<96x8000xi32>
    %eq3A_51 = arith.cmpi eq, %iota3A, %eq3A : vector<96x8000xi32>
    %convert_element_type3A = arith.extui %eq3A_51 : vector<96x8000xi1> to vector<96x8000xi32>
    %convert_element_type3A_52 = arith.sitofp %convert_element_type3A : vector<96x8000xi32> to vector<96x8000xf32>
    %get3A_53 = arith.constant 0 : index
    %get3A_54 = arith.constant 0 : index
    %get3A_55 = vector.load %arg4[%get3A_53, %get3A_54] : memref<96x128xf32, #tpu.memory_space<vmem>>, vector<96x128xf32>
    %dot_general3A_56 = arith.constant dense<0.000000e+00> : vector<8000x128xf32>
    %dot_general3A_57 = tpu.matmul %convert_element_type3A_52, %get3A_55, %dot_general3A_56 {dimension_numbers = #tpu.dot_dimension_numbers<[0], [0], [1], [1], [0, 1, 1, 1], [], []>, transpose_lhs_hint = false} : vector<96x8000xf32>, vector<96x128xf32>, vector<8000x128xf32> -> vector<8000x128xf32>
    %mul3A_58 = arith.mulf %mul3A_45, %dot_general3A_57 : vector<8000x128xf32>
    %swap3A = arith.constant 0 : index
    %swap3A_59 = arith.constant 0 : index
    %swap3A_60 = vector.load %arg9[%swap3A, %swap3A_59] : memref<8000x128xf32, #tpu.memory_space<vmem>>, vector<8000x128xf32>
    tpu.vector_store %arg9[%swap3A, %swap3A_59], %mul3A_58 {strides = array<i32>} : memref<8000x128xf32, #tpu.memory_space<vmem>>, vector<8000x128xf32>,
    return
  }
  func.func @transform_0(%arg0: i32) -> (i32, i32, i32) {
    %c0_i32 = arith.constant 0 : i32
    %c0_i32_0 = arith.constant 0 : i32
    %c0_i32_1 = arith.constant 0 : i32
    return %arg0, %c0_i32, %c0_i32_0 : i32, i32, i32
  }
  func.func @transform_1(%arg0: i32) -> (i32, i32, i32) {
    %c0_i32 = arith.constant 0 : i32
    %c0_i32_0 = arith.constant 0 : i32
    %c0_i32_1 = arith.constant 0 : i32
    return %arg0, %c0_i32, %c0_i32_0 : i32, i32, i32
  }
  func.func @transform_2(%arg0: i32) -> (i32, i32) {
    %c0_i32 = arith.constant 0 : i32
    %c0_i32_0 = arith.constant 0 : i32
    %c0_i32_1 = arith.constant 0 : i32
    return %c0_i32, %c0_i32_0 : i32, i32
  }
  func.func @transform_3(%arg0: i32) -> (i32, i32) {
    %c0_i32 = arith.constant 0 : i32
    %c0_i32_0 = arith.constant 0 : i32
    %c0_i32_1 = arith.constant 0 : i32
    return %c0_i32, %c0_i32_0 : i32, i32
  }
  func.func @transform_4(%arg0: i32) -> (i32, i32) {
    %c0_i32 = arith.constant 0 : i32
    %c0_i32_0 = arith.constant 0 : i32
    %c0_i32_1 = arith.constant 0 : i32
    return %c0_i32, %c0_i32_0 : i32, i32
  }
  func.func @transform_5(%arg0: i32) -> (i32, i32) {
    %c0_i32 = arith.constant 0 : i32
    %c0_i32_0 = arith.constant 0 : i32
    %c0_i32_1 = arith.constant 0 : i32
    return %c0_i32, %c0_i32_0 : i32, i32
  }
  func.func @transform_6(%arg0: i32) -> (i32, i32) {
    %c0_i32 = arith.constant 0 : i32
    %c0_i32_0 = arith.constant 0 : i32
    %c0_i32_1 = arith.constant 0 : i32
    return %c0_i32, %c0_i32_0 : i32, i32
  }
  func.func @transform_7(%arg0: i32) -> (i32, i32) {
    %c0_i32 = arith.constant 0 : i32
    %c0_i32_0 = arith.constant 0 : i32
    %c0_i32_1 = arith.constant 0 : i32
    return %c0_i32, %c0_i32_0 : i32, i32
  }
  func.func @transform_8(%arg0: i32) -> (i32, i32) {
    %c0_i32 = arith.constant 0 : i32
    %c0_i32_0 = arith.constant 0 : i32
    return %arg0, %c0_i32 : i32, i32
  }
}

module attributes {stable_mosaic.version = 14 : i64} {
  func.func @_tc_final_body(%arg0: memref<20000x128xf32, #tpu.memory_space<vmem>>, %arg1: memref<20000x128xf32, #tpu.memory_space<vmem>>, %arg2: memref<1x10000xi32, #tpu.memory_space<vmem>>, %arg3: memref<1x10000xi32, #tpu.memory_space<vmem>>, %arg4: memref<96x128xf32, #tpu.memory_space<vmem>>, %arg5: memref<1x128xf32, #tpu.memory_space<vmem>>, %arg6: memref<64x1xf32, #tpu.memory_space<vmem>>) attributes {dimension_semantics = [], scalar_prefetch = 0 : i64, scratch_operands = 0 : i64, tpu.core_type = #tpu.core_type<tc>} {
    %get3A = arith.constant 0 : index
    %get3A_0 = arith.constant 0 : index
    %get3A_1 = vector.load %arg0[%get3A, %get3A_0] : memref<20000x128xf32, #tpu.memory_space<vmem>>, vector<10000x128xf32>
    %get3A_2 = arith.constant 10000 : index
    %get3A_3 = arith.constant 0 : index
    %get3A_4 = vector.load %arg0[%get3A_2, %get3A_3] : memref<20000x128xf32, #tpu.memory_space<vmem>>, vector<10000x128xf32>
    %add3A = arith.addf %get3A_1, %get3A_4 : vector<10000x128xf32>
    %get3A_5 = arith.constant 0 : index
    %get3A_6 = arith.constant 0 : index
    %get3A_7 = vector.load %arg1[%get3A_5, %get3A_6] : memref<20000x128xf32, #tpu.memory_space<vmem>>, vector<10000x128xf32>
    %add3A_8 = arith.addf %add3A, %get3A_7 : vector<10000x128xf32>
    %get3A_9 = arith.constant 10000 : index
    %get3A_10 = arith.constant 0 : index
    %get3A_11 = vector.load %arg1[%get3A_9, %get3A_10] : memref<20000x128xf32, #tpu.memory_space<vmem>>, vector<10000x128xf32>
    %add3A_12 = arith.addf %add3A_8, %get3A_11 : vector<10000x128xf32>
    %get3A_13 = arith.constant 0 : index
    %get3A_14 = arith.constant 0 : index
    %get3A_15 = vector.load %arg2[%get3A_13, %get3A_14] : memref<1x10000xi32, #tpu.memory_space<vmem>>, vector<1x10000xi32>
    %get3A_16 = vector.shape_cast %get3A_15 : vector<1x10000xi32> to vector<10000xi32>
    %iota3A = tpu.iota {dimensions = array<i32: 0>} : vector<96x10000xi32>
    %broadcast_in_dim3A = vector.shape_cast %get3A_16 : vector<10000xi32> to vector<1x10000xi32>
    %eq3A = vector.broadcast %broadcast_in_dim3A : vector<1x10000xi32> to vector<96x10000xi32>
    %eq3A_17 = arith.cmpi eq, %iota3A, %eq3A : vector<96x10000xi32>
    %convert_element_type3A = arith.extui %eq3A_17 : vector<96x10000xi1> to vector<96x10000xi32>
    %convert_element_type3A_18 = arith.sitofp %convert_element_type3A : vector<96x10000xi32> to vector<96x10000xf32>
    %get3A_19 = arith.constant 0 : index
    %get3A_20 = arith.constant 0 : index
    %get3A_21 = vector.load %arg4[%get3A_19, %get3A_20] : memref<96x128xf32, #tpu.memory_space<vmem>>, vector<96x128xf32>
    %dot_general3A = arith.constant dense<0.000000e+00> : vector<10000x128xf32>
    %dot_general3A_22 = tpu.matmul %convert_element_type3A_18, %get3A_21, %dot_general3A {dimension_numbers = #tpu.dot_dimension_numbers<[0], [0], [1], [1], [0, 1, 1, 1], [], []>, transpose_lhs_hint = false} : vector<96x10000xf32>, vector<96x128xf32>, vector<10000x128xf32> -> vector<10000x128xf32>
    %div3A = arith.constant 3.200000e+01 : f32
    %div3A_23 = vector.broadcast %div3A : f32 to vector<10000x128xf32>
    %div3A_24 = arith.divf %add3A_12, %div3A_23 : vector<10000x128xf32>
    %add3A_25 = arith.addf %dot_general3A_22, %div3A_24 : vector<10000x128xf32>
    %logistic3A = arith.negf %add3A_25 : vector<10000x128xf32>
    %logistic3A_26 = math.exp %logistic3A : vector<10000x128xf32>
    %logistic3A_27 = arith.constant 1.000000e+00 : f32
    %logistic3A_28 = vector.broadcast %logistic3A_27 : f32 to vector<10000x128xf32>
    %logistic3A_29 = arith.addf %logistic3A_28, %logistic3A_26 : vector<10000x128xf32>
    %logistic3A_30 = arith.divf %logistic3A_28, %logistic3A_29 : vector<10000x128xf32>
    %mul3A = arith.mulf %add3A_25, %logistic3A_30 : vector<10000x128xf32>
    %get3A_31 = arith.constant 0 : index
    %get3A_32 = arith.constant 0 : index
    %get3A_33 = vector.load %arg5[%get3A_31, %get3A_32] : memref<1x128xf32, #tpu.memory_space<vmem>>, vector<1x128xf32>
    %mul3A_34 = vector.broadcast %get3A_33 : vector<1x128xf32> to vector<10000x128xf32>
    %mul3A_35 = arith.mulf %mul3A, %mul3A_34 : vector<10000x128xf32>
    %reduce_sum3A = arith.constant dense<0.000000e+00> : vector<10000xf32>
    %reduce_sum3A_36 = vector.multi_reduction <add>, %mul3A_35, %reduce_sum3A [1] : vector<10000x128xf32> to vector<10000xf32>
    %broadcast_in_dim3A_37 = vector.shape_cast %reduce_sum3A_36 : vector<10000xf32> to vector<10000x1xf32>
    %get3A_38 = arith.constant 0 : index
    %get3A_39 = arith.constant 0 : index
    %get3A_40 = vector.load %arg3[%get3A_38, %get3A_39] : memref<1x10000xi32, #tpu.memory_space<vmem>>, vector<1x10000xi32>
    %get3A_41 = vector.shape_cast %get3A_40 : vector<1x10000xi32> to vector<10000xi32>
    %iota3A_42 = tpu.iota {dimensions = array<i32: 0>} : vector<64x10000xi32>
    %broadcast_in_dim3A_43 = vector.shape_cast %get3A_41 : vector<10000xi32> to vector<1x10000xi32>
    %eq3A_44 = vector.broadcast %broadcast_in_dim3A_43 : vector<1x10000xi32> to vector<64x10000xi32>
    %eq3A_45 = arith.cmpi eq, %iota3A_42, %eq3A_44 : vector<64x10000xi32>
    %convert_element_type3A_46 = arith.extui %eq3A_45 : vector<64x10000xi1> to vector<64x10000xi32>
    %convert_element_type3A_47 = arith.sitofp %convert_element_type3A_46 : vector<64x10000xi32> to vector<64x10000xf32>
    %dot_general3A_48 = arith.constant dense<0.000000e+00> : vector<64x1xf32>
    %dot_general3A_49 = tpu.matmul %convert_element_type3A_47, %broadcast_in_dim3A_37, %dot_general3A_48 {dimension_numbers = #tpu.dot_dimension_numbers<[1], [0], [0], [1], [0, 0, 1, 1], [], []>, transpose_lhs_hint = false} : vector<64x10000xf32>, vector<10000x1xf32>, vector<64x1xf32> -> vector<64x1xf32>
    %div3A_50 = arith.constant 1.562500e+02 : f32
    %div3A_51 = vector.broadcast %div3A_50 : f32 to vector<64x1xf32>
    %div3A_52 = arith.divf %dot_general3A_49, %div3A_51 : vector<64x1xf32>
    %swap3A = arith.constant 0 : index
    %swap3A_53 = arith.constant 0 : index
    %swap3A_54 = vector.load %arg6[%swap3A, %swap3A_53] : memref<64x1xf32, #tpu.memory_space<vmem>>, vector<64x1xf32>
    tpu.vector_store %arg6[%swap3A, %swap3A_53], %div3A_52 {strides = array<i32>} : memref<64x1xf32, #tpu.memory_space<vmem>>, vector<64x1xf32>,
    return
  }
}

</mosaic_0001>

<sc_bundles>
// kernel: kernel.11.cloned.1.call-start
scs
__scs_entry_jumppad:
0x0: {  	(pc) =	sbr.rel $0x88, $3  }
0x1: {  	(tag) =	ssettag $0x0;
	lr =	simm.s32 $0x1  }
0x2: {  	[smem:$0x3F97] =	sst lr;
	_ =	strace $0xD0000000  }
0x3: {  	_ = 	snop  }
0x4: {  	_ = 	snop  }
0x5: {  	_ = 	snop  }
0x6: {  	_ = 	snop  }
0x7: {  	_ = 	snop  }
__scs_overlays_trampoline_lowered:
0x8: {  	[smem:$0x3FA6] =	sst s0  }
0x9: {  	[smem:$0x3FA7] =	sst s1  }
0xa: {  	[smem:$0x3FA8] =	sst s2  }
0xb: {  	[smem:$0x3FA9] =	sst s3  }
0xc: {  	[smem:$0x3FAA] =	sst s4  }
0xd: {  	[smem:$0x3FAB] =	sst s5  }
0xe: {  	[smem:$0x3FAC] =	sst s6  }
0xf: {  	[smem:$0x3FAD] =	sst s7  }
0x10: {  	[smem:$0x3FAE] =	sst s8  }
0x11: {  	[smem:$0x3FAF] =	sst s9;
	s0 =	simm.s32 @!p0 $0x0  }
0x12: {  	s1 =	sld [smem:$0x3F95];
	s0 =	simm.s32 @p0 $0x1  }
0x13: {  	[smem:$0x3FB0] =	sst s0;
	s0 =	simm.s32 @!p1 $0x0  }
0x14: {  	s2 =	sld [smem:$0x3F94];
	s0 =	simm.s32 @p1 $0x1  }
0x15: {  	[smem:$0x3FB1] =	sst s0;
	s0 =	simm.s32 @!p2 $0x0  }
0x16: {  	s3 =	sld [smem:$0x3FDB];
	s0 =	simm.s32 @p2 $0x1  }
0x17: {  	s4 =	simm.s32 $0x1BF5;
	[smem:$0x3FB3] =	sst s0  }
0x18: {  	s0 =	sld [smem:$0x3F96];
	_ =	swait.ge [sflag:s4], $0x0  }
0x19: {  	s7 =	sld [smem:$0x3F97]  }
0x1a: {  	s8 =	sadd.s32 $0xFFFFE003, lr  }
0x1b: {  	s9 =	sadd.s32 $0xFFFFFEF7, lr;
	s5 =	simm.s32 $0xFFFFFFFF;
	p2 =	slt.u32 s8, $0xFFFFF086  }
0x1c: {  	p1 =	slt.u32 s9, $0xF7A;
	s5 =	simm.s32 @!p2 $0x0  }
0x1d: {  	s5 =	simm.s32 @p1 $0x1;
	p0 =	seq.s32 s7, s2  }
0x1e: {  	s7 =	smul.u32 @!p0 $0xF7A, s2;
	p2 =	seq.s32 @!p0 s5, $0x0  }
0x1f: {  	s9 =	smul.u32 $0xF7A, s1;
	s8 =	simm.s32 @!p0 $0x1BF5;
	p2 =	por !p2, p0  }
0x20: {  	[sflag:s8] =	ssyncset.s32 @!p0 $0xFFFFF086;
	s6 =	sadd.s32 @!p0 s3, s7;
	s7 =	simm.s32 @!p0 $0x108  }
0x21: {  	s3 =	sadd.s32 s3, s9;
	s6 =	sadd.s32 @!p0 $0x88, s6;
	s7 =	simm.s32 @p2 $0x1082  }
0x22: {  	[simem:s7], [sflag:s8] =	dma.local @!p0 [hbm:s6], $0xF7A  }
0x23: {  	s9 =	sor.u32 $0xD0000000, s2;
	s6 =	simm.s32 $0x108;
	_ =	swait.ge @!p0 [sflag:s8], $0x0  }
0x24: {  	s3 =	sadd.s32 $0x88, s3;
	s6 =	simm.s32 @!p1 $0x1082;
	[sflag:s4] =	ssyncset.s32 $0xFFFFF086  }
0x25: {  	[simem:s6], [sflag:s4] =	dma.local [hbm:s3], $0xF7A  }
0x26: {  	[smem:$0x3F97] =	sst s1;
	(tag) =	ssettag s2;
	_ =	strace s9  }
0x27: {  	s1 =	sld [smem:$0x3FA7]  }
0x28: {  	s2 =	sld [smem:$0x3FA8]  }
0x29: {  	s4 =	sld [smem:$0x3FAA]  }
0x2a: {  	p0 =	seq.s32 s5, $0x0;
	s5 =	sld [smem:$0x3FAB]  }
0x2b: {  	s6 =	sld [smem:$0x3FAC]  }
0x2c: {  	s7 =	sld [smem:$0x3FAD]  }
0x2d: {  	s3 =	simm.s32 $0x108;
	s8 =	sld [smem:$0x3FAE]  }
0x2e: {  	s3 =	simm.s32 @!p0 $0x1082;
	s9 =	sld [smem:$0x3FAF]  }
0x2f: {  	lr =	sadd.s32 s0, s3;
	s0 =	sld [smem:$0x3FA6]  }
0x30: {  	s3 =	sld [smem:$0x3FA9]  }
0x31: {  	[smem:$0x3FB2] =	sst s10  }
0x32: {  	s10 =	sld [smem:$0x3FB0];
	_ =	sdelay $0x3  }
0x33: {  	p0 =	seq.s32 s10, $0x1;
	s10 =	sld [smem:$0x3FB2];
	_ =	sdelay $0x3  }
0x34: {  	[smem:$0x3FB2] =	sst s10  }
0x35: {  	s10 =	sld [smem:$0x3FB1];
	_ =	sdelay $0x3  }
0x36: {  	p1 =	seq.s32 s10, $0x1;
	s10 =	sld [smem:$0x3FB2];
	_ =	sdelay $0x3  }
0x37: {  	[smem:$0x3FB2] =	sst s10  }
0x38: {  	s10 =	sld [smem:$0x3FB3]  }
0x39: {  	_ = 	snop;
	(pc) =	sbr.ind lr, $3  }
0x3a: {  	_ = 	snop  }
0x3b: {  	_ = 	snop  }
0x3c: {  	p2 =	seq.s32 s10, $0x1;
	s10 =	sld [smem:$0x3FB2]  }
0x3d: {  	_ =	shalt  }
0x3e: {  	_ =	shalt  }
0x3f: {  	_ =	shalt  }
0x40: {  	_ =	shalt  }
0x41: {  	_ =	shalt  }
0x42: {  	_ =	shalt  }
0x43: {  	_ =	shalt  }
0x44: {  	_ =	shalt  }
0x45: {  	_ =	shalt  }
0x46: {  	_ =	shalt  }
0x47: {  	_ =	shalt  }
0x48: {  	_ =	shalt  }
0x49: {  	_ =	shalt  }
0x4a: {  	_ =	shalt  }
0x4b: {  	_ =	shalt  }
0x4c: {  	_ =	shalt  }
0x4d: {  	_ =	shalt  }
0x4e: {  	_ =	shalt  }
0x4f: {  	_ =	shalt  }
0x50: {  	_ =	shalt  }
0x51: {  	_ =	shalt  }
0x52: {  	_ =	shalt  }
0x53: {  	_ =	shalt  }
0x54: {  	_ =	shalt  }
0x55: {  	_ =	shalt  }
0x56: {  	_ =	shalt  }
0x57: {  	_ =	shalt  }
0x58: {  	_ =	shalt  }
0x59: {  	_ =	shalt  }
0x5a: {  	_ =	shalt  }
0x5b: {  	_ =	shalt  }
0x5c: {  	_ =	shalt  }
0x5d: {  	_ =	shalt  }
0x5e: {  	_ =	shalt  }
0x5f: {  	_ =	shalt  }
0x60: {  	_ =	shalt  }
0x61: {  	_ =	shalt  }
0x62: {  	_ =	shalt  }
0x63: {  	_ =	shalt  }
0x64: {  	_ =	shalt  }
0x65: {  	_ =	shalt  }
0x66: {  	_ =	shalt  }
0x67: {  	_ =	shalt  }
0x68: {  	_ =	shalt  }
0x69: {  	_ =	shalt  }
0x6a: {  	_ =	shalt  }
0x6b: {  	_ =	shalt  }
0x6c: {  	_ =	shalt  }
0x6d: {  	_ =	shalt  }
0x6e: {  	_ =	shalt  }
0x6f: {  	_ =	shalt  }
0x70: {  	_ =	shalt  }
0x71: {  	_ =	shalt  }
0x72: {  	_ =	shalt  }
0x73: {  	_ =	shalt  }
0x74: {  	_ =	shalt  }
0x75: {  	_ =	shalt  }
0x76: {  	_ =	shalt  }
0x77: {  	_ =	shalt  }
0x78: {  	_ =	shalt  }
0x79: {  	_ =	shalt  }
0x7a: {  	_ =	shalt  }
0x7b: {  	_ =	shalt  }
0x7c: {  	_ =	shalt  }
0x7d: {  	_ =	shalt  }
0x7e: {  	_ =	shalt  }
0x7f: {  	_ =	shalt  }
0x80: {  	_ =	shalt  }
0x81: {  	_ =	shalt  }
0x82: {  	_ =	shalt  }
0x83: {  	_ =	shalt  }
0x84: {  	_ =	shalt  }
0x85: {  	_ =	shalt  }
0x86: {  	_ =	shalt  }
0x87: {  	_ =	shalt  }
.Lfunc_end0:
.L_simem_size_0:
called_computation.1_lowered:
.L_overlay_start_0:
0x88: {  	s2 =	sld [smem:$0x3FD9]  }
0x89: {  	s3 =	sld [smem:$0x3FFE];
	_ =	sdelay $0x1  }
0x8a: {  	s1 =	srdreg.scid  }
0x8b: {  	s0 =	sand.u32 $0x1, s1  }
0x8c: {  	s17 =	sshll.u32 s0, $0xA;
	s2 =	sadd.s32 s3, s2  }
0x8d: {  	s2 =	sadd.s32 s2, s17  }
0x8e: {  	[smem:$0x3FBE] =	sst s2  }
0x8f: {  	_ = 	snop  }
0x90: {  	(tm) =	ssettm $0x1  }
0x91: {  	s18 =	sld [smem:$0x3FFB];
	_ =	sdelay $0x3  }
0x92: {  	_ =	strace s18  }
0x93: {  	s2 =	sld [smem:$0x3FFC];
	_ =	sdelay $0x3  }
0x94: {  	_ =	strace s2  }
0x95: {  	s2 =	sld [smem:$0x3FFD];
	_ =	sdelay $0x3  }
0x96: {  	_ =	strace s2  }
0x97: {  	_ =	strace $0x8FFFFFFF  }
0x98: {  	s19 =	sld [smem:$0x3FDB];
	_ =	sdelay $0x1  }
0x99: {  	s20 =	simm.s32 $_scs_section_size  }
0x9a: {  	s4 =	simm.s32 $_size__tile_overlayer_lowered;
	s5 =	simm.s32 $_tile_overlayer_lowered  }
0x9b: {  	s6 =	simm.s32 $0x1BFF;
	s21 =	sshll.u32 s5, $0x1;
	s3 =	sadd.s32 s20, s19  }
0x9c: {  	s22 =	simm.s32 $0x0;
	s4 =	sshll.u32 s4, $0x1;
	s5 =	sadd.s32 s21, s3  }
0x9d: {  	[timem:s22], [sflag:s6] =	dma.local [hbm:s5], s4  }
0x9e: {  	_ =	swait.ge [sflag:s6], s4  }
0x9f: {  	s4 =	ssub.s32 $0x0, s4;
	[sflag:s6] =	ssyncset.done $0x0  }
0xa0: {  	[sflag:s6] =	ssyncadd.s32 s4;
	_ =	sdelay $0x1  }
0xa1: {  	s23 =	simm.s32 $0x1B8B  }
0xa2: {  	_ =	swait.ge [sflag:s23], $0x1  }
0xa3: {  	[sflag:s23] =	ssyncset.done $0x0  }
0xa4: {  	[sflag:s23] =	ssyncadd.s32 $0xFFFFFFFF  }
0xa5: {  	s4 =	sld [smem:$0x0]  }
0xa6: {  	s5 =	sand.u32 $0xFFFFFFFE, s1  }
0xa7: {  	p0 =	sne.s32 s1, s5  }
0xa8: {  	s5 =	sshll.u32 @p0 s5, $0xE  }
0xa9: {  	s5 =	sadd.s32 @p0 $0x11B8D, s5;
	s6 =	sshll.u32 @p0 s4, $0x11  }
0xaa: {  	s5 =	sor.u32 @p0 s6, s5  }
0xab: {  	[sflag:s5] =	ssyncadd.remote.s32 @p0 $0x1;
	_ =	sdelay $0x1  }
0xac: {  	s5 =	simm.s32 @p0 $0x1B8D  }
0xad: {  	_ =	swait.eq @p0 [sflag:s5], $0x1  }
0xae: {  	[sflag:s5] =	ssyncadd.s32 @p0 $0xFFFFFFFF  }
0xaf: {  	s6 =	sshll.u32 @!p0 s1, $0xE  }
0xb0: {  	s6 =	sor.u32 @!p0 $0x4000, s6;
	s5 =	simm.s32 @!p0 $0x1B8D  }
0xb1: {  	s4 =	sshll.u32 @!p0 s4, $0x11;
	s6 =	sadd.s32 @!p0 $0x11B8D, s6;
	_ =	swait.eq @!p0 [sflag:s5], $0x1  }
0xb2: {  	s4 =	sor.u32 @!p0 s4, s6;
	[sflag:s5] =	ssyncadd.s32 @!p0 $0xFFFFFFFF  }
0xb3: {  	s25 =	simm.s32 $0x1B8E;
	s24 =	sld [smem:$0x3FFE];
	[sflag:s4] =	ssyncadd.remote.s32 @!p0 $0x1  }
0xb4: {  	s26 =	simm.s32 $execute0_lowered;
	[smem:$0x3FD2] =	sst s25  }
0xb5: {  	s5 =	sshll.u32 s26, $0x1;
	_ =	strace $0x8000004C;
	[dreg:$0x1] =	wrdreg $0xFFFFFFFF  }
0xb6: {  	s28 =	simm.s32 $_size_execute0_lowered;
	s3 =	sadd.s32 s3, s5;
	[dreg:$0x0] =	wrdreg $0x0  }
0xb7: {  	s5 =	sshll.u32 s28, $0x1;
	[dreg:$0x2] =	wrdreg s3  }
0xb8: {  	[dreg:$0x3] =	wrdreg s5  }
0xb9: {  	[dreg:$0x4] =	wrdreg $0xC0  }
0xba: {  	_ =	task [dreg:s22], $0x5FFFF  }
0xbb: {  	[dreg:$0x1] =	wrdreg $0xFFFFFFFF  }
0xbc: {  	[dreg:$0x0] =	wrdreg $0x60  }
0xbd: {  	[dreg:$0x2] =	wrdreg s24  }
0xbe: {  	[dreg:$0x3] =	wrdreg $0x52000  }
0xbf: {  	[dreg:$0x4] =	wrdreg $0x9  }
0xc0: {  	_ =	task.clear_ibuf [dreg:s22], $0x5FFFF;
	_ =	strace $0x9000004C  }
0xc1: {  	s29 =	simm.s32 $0x9;
	_ =	strace $0x8000004E  }
0xc2: {  	_ =	swait.ge [sflag:s29], $0x1  }
0xc3: {  	[sflag:s29] =	ssyncadd.s32 $0xFFFFFFFF  }
0xc4: {  	_ =	strace $0x9000004E  }
0xc5: {  	_ =	sfence  }
0xc6: {  	s30 =	sld [smem:$0x0];
	_ =	sdelay $0x2  }
0xc7: {  	s31 =	sshll.u32 s1, $0xD;
	s1 =	sshrl.u32 s1, $0x2  }
0xc8: {  	s4 =	sand.u32 $0x4000, s31;
	s1 =	sadd.s32 s1, s30  }
0xc9: {  	s0 =	sor.u32 s4, s0;
	s1 =	sshll.u32 s1, $0x11  }
0xca: {  	s0 =	sor.u32 s1, s0  }
0xcb: {  	s0 =	sadd.s32 $0x8F2B, s0  }
0xcc: {  	[sflag:s0] =	ssyncadd.remote.s32 $0x1  }
0xcd: {  	_ =	sfence.sel $0xFFFF  }
0xce: {  	[dreg:$0x0] =	wrdreg $0xFFFFFFFF;
	(pc) =	sbr.abs _section_cstart, $3  }
0xcf: {  	[dreg:$0x1] =	wrdreg $0xFFFFFFFF  }
0xd0: {  	_ =	task.clear_ibuf [dreg:s22], $0x2FFFF;
	_ =	strace $0x9FFFFFFF  }
0xd1: {  	(tm) =	ssettm $0x7FFFFFFF  }
tec
execute0_lowered:
.L_overlay_start_1:
0x0: {  	(tag) =	ssettag $0x1  }
0x1: {  	s0 =	rddreg [dreg:$0x0]  }
0x2: {  	s1 =	rddreg [dreg:$0x1];
	s2 =	simm.s32 $0x0;
	s3 =	srdreg.scid  }
0x3: {  	s12 =	stileid.u32;
	s28 =	simm.s32 $0x5180;
	s29 =	simm.s32 $0x3D80  }
0x4: {  	s30 =	simm.s32 $0x1;
	s31 =	simm.s32 $0x28;
	[smem:$0x7FF] =	sst s2  }
0x5: {  	s3 =	sand.u32 $0x1, s3;
	s4 =	sshll.u32 s12, $0x1;
	s11 =	smul.u32 $0x13800, s12  }
0x6: {  	s5 =	sadd.s32 $0x2F2800, s0;
	s8 =	sadd.s32 $0xC00, s0;
	s20 =	smul.u32 $0x4E000, s12  }
0x7: {  	p0 =	sne.s32 s12, $0x0;
	p1 =	sne.s32 s12, $0xF;
	_ =	strace $0x8000004D  }
0x8: {  	s6 =	sor.u32 s3, s4;
	s4 =	sadd.s32 $0x2ED800, s0;
	s21 =	smul.u32 $0x13880, s3  }
0x9: {  	[dreg:$0x3] =	wrdreg s8;
	s13 =	ssub.s32 $0x2, s3;
	s7 =	smul.u32 $0x1388, s6  }
0xa: {  	s0 =	sadd.s32 $0x563800, s0;
	s9 =	sshrl.u32 s13, $0x1;
	s6 =	smul.u32 $0x13880, s6  }
0xb: {  	s22 =	sshrl.u32 s20, $0x2;
	s8 =	ssub.s32 s13, s9;
	s13 =	smul.u32 $0x138800, s3  }
0xc: {  	s20 =	simm.s32 $0x1400;
	s3 =	smul.u32 $0x1388, s3;
	s10 =	sshrl.u32 s7, $0x3  }
0xd: {  	s15 =	sadd.s32 $0x28, s7;
	s6 =	sadd.s32 s5, s6;
	s7 =	sadd.s32 $0x50, s7  }
0xe: {  	s8 =	smax.u32 s8, $0x1;
	s14 =	sadd.s32 s4, s10;
	[dreg:$0x5] =	wrdreg s6  }
0xf: {  	s16 =	sshrl.u32 s15, $0x3;
	s9 =	sshll.u32 s15, $0x4;
	s18 =	sshrl.u32 s7, $0x3  }
0x10: {  	s19 =	sadd.s32 s11, s13;
	s7 =	sshll.u32 s7, $0x4;
	[dreg:$0xc] =	wrdreg s8  }
0x11: {  	s23 =	sshrl.u32 s13, $0x3;
	[dreg:$0x4] =	wrdreg s14;
	s6 =	sadd.s32 s4, s16  }
0x12: {  	s17 =	sadd.s32 s5, s9;
	s14 =	smul.u32 $0x27100, s12;
	[dreg:$0x6] =	wrdreg s6  }
0x13: {  	s7 =	sadd.s32 s5, s7;
	s16 =	smul.u32 $0x2710, s12;
	[dreg:$0x7] =	wrdreg s17  }
0x14: {  	s6 =	sadd.s32 s4, s18;
	[dreg:$0x9] =	wrdreg s7;
	s7 =	sadd.s32 s22, s1  }
0x15: {  	s22 =	simm.s32 $0x1480;
	[dreg:$0x8] =	wrdreg s6;
	s6 =	sshrl.u32 s19, $0x3  }
0x16: {  	s5 =	sadd.s32 s14, s5;
	s3 =	sadd.s32 s3, s16;
	s26 =	sshrl.u32 s7, $0x3  }
0x17: {  	s6 =	sadd.s32 s0, s6;
	s0 =	sadd.s32 s0, s23;
	s15 =	sadd.s32 s21, s5  }
0x18: {  	s16 =	sadd.s32 $0xA0, s3;
	s24 =	sadd.s32 $0xC8, s3;
	s25 =	sadd.s32 $0xF0, s3  }
0x19: {  	s3 =	sadd.s32 $0x78, s3;
	s21 =	simm.s32 $0x2880;
	[dreg:$0xd] =	wrdreg s26  }
0x1a: {  	s23 =	simm.s32 $0x2;
	s26 =	simm.s32 $0x4;
	[dreg:$0xa] =	wrdreg s6  }
0x1b: {  	s0 =	sadd.s32 $0x27000, s0;
	s5 =	sshrl.u32 s24, $0x3;
	s6 =	sshrl.u32 s25, $0x3  }
0x1c: {  	s3 =	sshrl.u32 s3, $0x3;
	[dreg:$0xb] =	wrdreg s0;
	s0 =	sadd.s32 $0x138000, s1  }
0x1d: {  	s17 =	sadd.s32 s5, s4;
	s18 =	sadd.s32 s6, s4;
	s19 =	sadd.s32 s3, s4  }
0x1e: {  	s3 =	simm.s32 $0x0;
	s25 =	sshrl.u32 @!p1 s0, $0x3;
	s0 =	simm.s32 $0x5  }
.LBB2_1:
0x1f: {  	s5 =	sshrl.u32 @!p0 s1, $0x3;
	s6 =	simm.s32 @!p0 $0x1C05;
	s7 =	rddreg [dreg:$0x3]  }
0x20: {  	[spmem:s5], [sflag:s6] =	dma.local @!p0 [hbm:s7], $0x27100  }
0x21: {  	s5 =	simm.s32 @!p0 $0x5  }
0x22: {  	_ =	swait.ge @!p0 [sflag:s5], $0x27100  }
0x23: {  	[sflag:s5] =	ssyncset.done @!p0 $0x0  }
0x24: {  	[sflag:s5] =	ssyncadd.s32 @!p0 $0xFFFD8F00  }
0x25: {  	[bflag:$0x0] =	sbarrier.arrive $0xFFFF  }
0x26: {  	s24 =	rddreg [dreg:$0x4]  }
0x27: {  	[tilespmem:s20], [sflag:$0x1] =	stream.linear.gather [hbm4b:s24+s2], $0x28, $0x38;
	[tilespmem:$0x18A80] =	vst v63  }
0x28: {  	s6 =	rddreg [dreg:$0x5]  }
0x29: {  	[tilespmem:s2], [sflag:$0x1] =	stream.linear.gather [hbm4b:s6+s2], $0x1400, $0x38;
	[tilespmem:$0x18A80] =	vst v63  }
0x2a: {  	s7 =	rddreg [dreg:$0x6]  }
0x2b: {  	[tilespmem:s21], [sflag:$0x2] =	stream.linear.gather [hbm4b:s7+s2], $0x28, $0x38;
	[tilespmem:$0x18A80] =	vst v63  }
0x2c: {  	s8 =	rddreg [dreg:$0x7]  }
0x2d: {  	[tilespmem:s22], [sflag:$0x2] =	stream.linear.gather [hbm4b:s8+s2], $0x1400, $0x38;
	[tilespmem:$0x18A80] =	vst v63  }
0x2e: {  	s10 =	simm.s32 $0x3D00;
	s9 =	rddreg [dreg:$0x8]  }
0x2f: {  	[tilespmem:s10], [sflag:$0x3] =	stream.linear.gather [hbm4b:s9+s2], $0x28, $0x38;
	[tilespmem:$0x18A80] =	vst v63  }
0x30: {  	s12 =	simm.s32 $0x2900;
	s11 =	rddreg [dreg:$0x9]  }
0x31: {  	[tilespmem:s12], [sflag:$0x3] =	stream.linear.gather [hbm4b:s11+s2], $0x1400, $0x38;
	[tilespmem:$0x18A80] =	vst v63  }
0x32: {  	s13 =	sadd.s32 $0x0, s15  }
0x33: {  	[tilespmem:s28], [sflag:$0x4] =	stream.linear.gather [hbm4b:s19+s2], $0x28, $0x38;
	[tilespmem:$0x18A80] =	vst v63  }
0x34: {  	s14 =	sadd.s32 $0x780, s13  }
0x35: {  	[tilespmem:s29], [sflag:$0x4] =	stream.linear.gather [hbm4b:s14+s2], $0x1400, $0x38;
	[tilespmem:$0x18A80] =	vst v63  }
0x36: {  	_ =	swait.ge [sflag:s30], $0x28  }
0x37: {  	[sflag:s30] =	ssyncset.done $0x0  }
0x38: {  	[sflag:s30] =	ssyncadd.s32 $0xFFFFFFD8  }
0x39: {  	_ =	swait.ge [sflag:s30], $0x1400  }
0x3a: {  	[sflag:s30] =	ssyncset.done $0x0  }
0x3b: {  	[sflag:s30] =	ssyncadd.s32 $0xFFFFEC00  }
0x3c: {  	[spmem:s1] =	stream.indirect.scatter.add.f32 [tilespmem:s2], [sflag:$0x5], $0x80, s20, s31, $0xb8;
	[tilespmem:$0x18A80] =	vst v63  }
0x3d: {  	_ =	swait.ge [sflag:s0], $0x1400  }
0x3e: {  	s24 =	sshrl.u32 s16, $0x3;
	[sflag:s0] =	ssyncset.done $0x0  }
0x3f: {  	s6 =	sadd.s32 s4, s24;
	[sflag:s0] =	ssyncadd.s32 $0xFFFFEC00  }
0x40: {  	[tilespmem:s20], [sflag:$0x1] =	stream.linear.gather [hbm4b:s6+s2], $0x28, $0x38;
	[tilespmem:$0x18A80] =	vst v63  }
0x41: {  	s5 =	sadd.s32 $0xA00, s13  }
0x42: {  	[tilespmem:s2], [sflag:$0x1] =	stream.linear.gather [hbm4b:s5+s2], $0x1400, $0x38;
	[tilespmem:$0x18A80] =	vst v63  }
0x43: {  	_ =	swait.ge [sflag:s23], $0x28  }
0x44: {  	[sflag:s23] =	ssyncset.done $0x0  }
0x45: {  	[sflag:s23] =	ssyncadd.s32 $0xFFFFFFD8  }
0x46: {  	_ =	swait.ge [sflag:s23], $0x1400  }
0x47: {  	[sflag:s23] =	ssyncset.done $0x0  }
0x48: {  	[sflag:s23] =	ssyncadd.s32 $0xFFFFEC00  }
0x49: {  	[spmem:s1] =	stream.indirect.scatter.add.f32 [tilespmem:s22], [sflag:$0x5], $0x80, s21, s31, $0xb8;
	[tilespmem:$0x18A80] =	vst v63  }
0x4a: {  	_ =	swait.ge [sflag:s0], $0x1400  }
0x4b: {  	p2 =	por $0x0, $0x0;
	[sflag:s0] =	ssyncset.done $0x0  }
0x4c: {  	s5 =	simm.s32 @p2 $0x3;
	[sflag:s0] =	ssyncadd.s32 $0xFFFFEC00  }
0x4d: {  	_ =	swait.ge @p2 [sflag:s5], $0x28  }
0x4e: {  	[sflag:s5] =	ssyncset.done @p2 $0x0  }
0x4f: {  	[sflag:s5] =	ssyncadd.s32 @p2 $0xFFFFFFD8  }
0x50: {  	_ =	swait.ge @p2 [sflag:s5], $0x1400  }
0x51: {  	s7 =	simm.s32 @p2 $0x5;
	s8 =	simm.s32 @p2 $0x3D00;
	[sflag:s5] =	ssyncset.done @p2 $0x0  }
0x52: {  	s6 =	simm.s32 @p2 $0x2900;
	[sflag:s5] =	ssyncadd.s32 @p2 $0xFFFFEC00;
	s5 =	simm.s32 @p2 $0x28  }
0x53: {  	[spmem:s1] =	stream.indirect.scatter.add.f32 @p2 [tilespmem:s6], [sflag:$0x5], $0x80, s8, s5, $0xb8;
	[tilespmem:$0x18A80] =	vst v63  }
0x54: {  	_ =	swait.ge @p2 [sflag:s7], $0x1400  }
0x55: {  	s5 =	sadd.s32 @!p2 $0x0, s15;
	[sflag:s7] =	ssyncset.done @p2 $0x0  }
0x56: {  	s6 =	simm.s32 @!p2 $0x0;
	[sflag:s7] =	ssyncadd.s32 @p2 $0xFFFFEC00;
	s7 =	simm.s32 @!p2 $0x2880  }
0x57: {  	[tilespmem:s7], [sflag:$0x2] =	stream.linear.gather @!p2 [hbm4b:s17+s6], $0x28, $0x38;
	[tilespmem:$0x18A80] =	vst v63  }
0x58: {  	s9 =	simm.s32 @!p2 $0x3;
	s8 =	simm.s32 @!p2 $0x1480;
	s7 =	sadd.s32 @!p2 $0xC80, s5  }
0x59: {  	[tilespmem:s8], [sflag:$0x2] =	stream.linear.gather @!p2 [hbm4b:s7+s6], $0x1400, $0x38;
	[tilespmem:$0x18A80] =	vst v63  }
0x5a: {  	_ =	swait.ge @!p2 [sflag:s9], $0x28  }
0x5b: {  	[sflag:s9] =	ssyncset.done @!p2 $0x0  }
0x5c: {  	[sflag:s9] =	ssyncadd.s32 @!p2 $0xFFFFFFD8  }
0x5d: {  	_ =	swait.ge @!p2 [sflag:s9], $0x1400  }
0x5e: {  	s7 =	simm.s32 @!p2 $0x2900;
	[sflag:s9] =	ssyncset.done @!p2 $0x0  }
0x5f: {  	s8 =	simm.s32 @!p2 $0x28;
	[sflag:s9] =	ssyncadd.s32 @!p2 $0xFFFFEC00;
	s9 =	simm.s32 @!p2 $0x3D00  }
0x60: {  	[spmem:s1] =	stream.indirect.scatter.add.f32 @!p2 [tilespmem:s7], [sflag:$0x5], $0x80, s9, s8, $0xb8;
	[tilespmem:$0x18A80] =	vst v63  }
0x61: {  	s8 =	simm.s32 @!p2 $0x5  }
0x62: {  	_ =	swait.ge @!p2 [sflag:s8], $0x1400  }
0x63: {  	[sflag:s8] =	ssyncset.done @!p2 $0x0  }
0x64: {  	[sflag:s8] =	ssyncadd.s32 @!p2 $0xFFFFEC00  }
0x65: {  	[tilespmem:s9], [sflag:$0x3] =	stream.linear.gather @!p2 [hbm4b:s18+s6], $0x28, $0x38;
	[tilespmem:$0x18A80] =	vst v63  }
0x66: {  	s5 =	sadd.s32 @!p2 $0xF00, s5  }
0x67: {  	[tilespmem:s7], [sflag:$0x3] =	stream.linear.gather @!p2 [hbm4b:s5+s6], $0x1400, $0x38;
	[tilespmem:$0x18A80] =	vst v63  }
0x68: {  	_ =	swait.ge [sflag:s26], $0x28  }
0x69: {  	[sflag:s26] =	ssyncset.done $0x0  }
0x6a: {  	[sflag:s26] =	ssyncadd.s32 $0xFFFFFFD8  }
0x6b: {  	_ =	swait.ge [sflag:s26], $0x1400  }
0x6c: {  	[sflag:s26] =	ssyncset.done $0x0  }
0x6d: {  	s8 =	sadd.s32 $0xA0, s16;
	[sflag:s26] =	ssyncadd.s32 $0xFFFFEC00  }
0x6e: {  	[spmem:s1] =	stream.indirect.scatter.add.f32 [tilespmem:s29], [sflag:$0x5], $0x80, s28, s31, $0xb8;
	[tilespmem:$0x18A80] =	vst v63  }
0x6f: {  	s9 =	sadd.s32 $0x14, s17;
	s5 =	simm.s32 $0xA00;
	_ =	swait.ge [sflag:s0], $0x1400  }
0x70: {  	s6 =	sadd.s32 $0x14, s18;
	s7 =	sadd.s32 $0x14, s19;
	[sflag:s0] =	ssyncset.done $0x0  }
.LBB2_2:
0x71: {  	s10 =	sadd.s32 s5, s15  }
0x72: {  	[sflag:s0] =	ssyncadd.s32 $0xFFFFEC00;
	s11 =	smov.u32 s5;
	s5 =	sadd.s32 $0xA00, s5  }
0x73: {  	[tilespmem:s28], [sflag:$0x4] =	stream.linear.gather [hbm4b:s7+s2], $0x28, $0x38;
	[tilespmem:$0x18A80] =	vst v63  }
0x74: {  	s12 =	sadd.s32 $0x780, s10;
	p2 =	sne.s32 s5, $0x13600  }
0x75: {  	[tilespmem:s29], [sflag:$0x4] =	stream.linear.gather [hbm4b:s12+s2], $0x1400, $0x38;
	[tilespmem:$0x18A80] =	vst v63  }
0x76: {  	_ =	swait.ge [sflag:s30], $0x28  }
0x77: {  	[sflag:s30] =	ssyncset.done $0x0  }
0x78: {  	[sflag:s30] =	ssyncadd.s32 $0xFFFFFFD8  }
0x79: {  	_ =	swait.ge [sflag:s30], $0x1400  }
0x7a: {  	[sflag:s30] =	ssyncset.done $0x0  }
0x7b: {  	[sflag:s30] =	ssyncadd.s32 $0xFFFFEC00  }
0x7c: {  	[spmem:s1] =	stream.indirect.scatter.add.f32 [tilespmem:s2], [sflag:$0x5], $0x80, s20, s31, $0xb8;
	[tilespmem:$0x18A80] =	vst v63  }
0x7d: {  	_ =	swait.ge [sflag:s0], $0x1400  }
0x7e: {  	s12 =	sshrl.u32 s8, $0x3;
	[sflag:s0] =	ssyncset.done $0x0  }
0x7f: {  	s12 =	sadd.s32 s4, s12;
	[sflag:s0] =	ssyncadd.s32 $0xFFFFEC00  }
0x80: {  	[tilespmem:s20], [sflag:$0x1] =	stream.linear.gather [hbm4b:s12+s2], $0x28, $0x38;
	[tilespmem:$0x18A80] =	vst v63  }
0x81: {  	s10 =	sadd.s32 $0xA00, s10  }
0x82: {  	[tilespmem:s2], [sflag:$0x1] =	stream.linear.gather [hbm4b:s10+s2], $0x1400, $0x38;
	[tilespmem:$0x18A80] =	vst v63  }
0x83: {  	_ =	swait.ge [sflag:s23], $0x28  }
0x84: {  	[sflag:s23] =	ssyncset.done $0x0  }
0x85: {  	[sflag:s23] =	ssyncadd.s32 $0xFFFFFFD8  }
0x86: {  	_ =	swait.ge [sflag:s23], $0x1400  }
0x87: {  	[sflag:s23] =	ssyncset.done $0x0  }
0x88: {  	[sflag:s23] =	ssyncadd.s32 $0xFFFFEC00  }
0x89: {  	[spmem:s1] =	stream.indirect.scatter.add.f32 [tilespmem:s22], [sflag:$0x5], $0x80, s21, s31, $0xb8;
	[tilespmem:$0x18A80] =	vst v63  }
0x8a: {  	_ =	swait.ge [sflag:s0], $0x1400  }
0x8b: {  	p3 =	seq.s32 s11, $0x12C00;
	[sflag:s0] =	ssyncset.done $0x0  }
0x8c: {  	s11 =	sadd.s32 @!p3 s11, s15;
	s10 =	simm.s32 @p3 $0x3;
	[sflag:s0] =	ssyncadd.s32 $0xFFFFEC00  }
0x8d: {  	s12 =	sadd.s32 @!p3 $0xC80, s11;
	s11 =	sadd.s32 @!p3 $0xF00, s11;
	_ =	swait.ge @p3 [sflag:s10], $0x28  }
0x8e: {  	[sflag:s10] =	ssyncset.done @p3 $0x0  }
0x8f: {  	[sflag:s10] =	ssyncadd.s32 @p3 $0xFFFFFFD8  }
0x90: {  	_ =	swait.ge @p3 [sflag:s10], $0x1400  }
0x91: {  	s13 =	simm.s32 @p3 $0x2900;
	s14 =	simm.s32 @p3 $0x5;
	[sflag:s10] =	ssyncset.done @p3 $0x0  }
0x92: {  	s24 =	simm.s32 @p3 $0x3D00;
	[sflag:s10] =	ssyncadd.s32 @p3 $0xFFFFEC00;
	s10 =	simm.s32 @p3 $0x28  }
0x93: {  	[spmem:s1] =	stream.indirect.scatter.add.f32 @p3 [tilespmem:s13], [sflag:$0x5], $0x80, s24, s10, $0xb8;
	[tilespmem:$0x18A80] =	vst v63  }
0x94: {  	_ =	swait.ge @p3 [sflag:s14], $0x1400  }
0x95: {  	[sflag:s14] =	ssyncset.done @p3 $0x0  }
0x96: {  	s10 =	simm.s32 @!p3 $0x0;
	s13 =	simm.s32 @!p3 $0x2880;
	[sflag:s14] =	ssyncadd.s32 @p3 $0xFFFFEC00  }
0x97: {  	[tilespmem:s13], [sflag:$0x2] =	stream.linear.gather @!p3 [hbm4b:s9+s10], $0x28, $0x38;
	[tilespmem:$0x18A80] =	vst v63  }
0x98: {  	s14 =	simm.s32 @!p3 $0x3;
	s13 =	simm.s32 @!p3 $0x1480  }
0x99: {  	[tilespmem:s13], [sflag:$0x2] =	stream.linear.gather @!p3 [hbm4b:s12+s10], $0x1400, $0x38;
	[tilespmem:$0x18A80] =	vst v63  }
0x9a: {  	_ =	swait.ge @!p3 [sflag:s14], $0x28  }
0x9b: {  	[sflag:s14] =	ssyncset.done @!p3 $0x0  }
0x9c: {  	[sflag:s14] =	ssyncadd.s32 @!p3 $0xFFFFFFD8  }
0x9d: {  	_ =	swait.ge @!p3 [sflag:s14], $0x1400  }
0x9e: {  	s12 =	simm.s32 @!p3 $0x2900;
	s13 =	simm.s32 @!p3 $0x5;
	[sflag:s14] =	ssyncset.done @!p3 $0x0  }
0x9f: {  	s24 =	simm.s32 @!p3 $0x3D00;
	[sflag:s14] =	ssyncadd.s32 @!p3 $0xFFFFEC00;
	s14 =	simm.s32 @!p3 $0x28  }
0xa0: {  	[spmem:s1] =	stream.indirect.scatter.add.f32 @!p3 [tilespmem:s12], [sflag:$0x5], $0x80, s24, s14, $0xb8;
	[tilespmem:$0x18A80] =	vst v63  }
0xa1: {  	_ =	swait.ge @!p3 [sflag:s13], $0x1400  }
0xa2: {  	[sflag:s13] =	ssyncset.done @!p3 $0x0  }
0xa3: {  	[sflag:s13] =	ssyncadd.s32 @!p3 $0xFFFFEC00  }
0xa4: {  	[tilespmem:s24], [sflag:$0x3] =	stream.linear.gather @!p3 [hbm4b:s6+s10], $0x28, $0x38;
	[tilespmem:$0x18A80] =	vst v63  }
0xa5: {  	_ = 	snop  }
0xa6: {  	[tilespmem:s12], [sflag:$0x3] =	stream.linear.gather @!p3 [hbm4b:s11+s10], $0x1400, $0x38;
	[tilespmem:$0x18A80] =	vst v63  }
0xa7: {  	_ =	swait.ge [sflag:s26], $0x28  }
0xa8: {  	[sflag:s26] =	ssyncset.done $0x0  }
0xa9: {  	[sflag:s26] =	ssyncadd.s32 $0xFFFFFFD8  }
0xaa: {  	_ =	swait.ge [sflag:s26], $0x1400  }
.Ltmp0:
0xab: {  	[sflag:s26] =	ssyncset.done $0x0;
	(pc) =	sbr.rel @p2 .LBB2_2-.Ltmp0, $4  }
0xac: {  	[sflag:s26] =	ssyncadd.s32 $0xFFFFEC00  }
0xad: {  	[spmem:s1] =	stream.indirect.scatter.add.f32 [tilespmem:s29], [sflag:$0x5], $0x80, s28, s31, $0xb8;
	[tilespmem:$0x18A80] =	vst v63  }
0xae: {  	s7 =	sadd.s32 $0x14, s7;
	s6 =	sadd.s32 $0x14, s6;
	_ =	swait.ge [sflag:s0], $0x1400  }
0xaf: {  	s8 =	sadd.s32 $0xA0, s8;
	s9 =	sadd.s32 $0x14, s9;
	[sflag:s0] =	ssyncset.done $0x0  }
0xb0: {  	[sflag:s0] =	ssyncadd.s32 $0xFFFFEC00  }
0xb1: {  	_ =	swait.ge [sflag:s30], $0x28  }
0xb2: {  	[sflag:s30] =	ssyncset.done $0x0  }
0xb3: {  	[sflag:s30] =	ssyncadd.s32 $0xFFFFFFD8  }
0xb4: {  	_ =	swait.ge [sflag:s30], $0x1400  }
0xb5: {  	[sflag:s30] =	ssyncset.done $0x0  }
0xb6: {  	[sflag:s30] =	ssyncadd.s32 $0xFFFFEC00  }
0xb7: {  	[spmem:s1] =	stream.indirect.scatter.add.f32 [tilespmem:s2], [sflag:$0x5], $0x80, s20, s31, $0xb8;
	[tilespmem:$0x18A80] =	vst v63  }
0xb8: {  	_ =	swait.ge [sflag:s0], $0x1400  }
0xb9: {  	[sflag:s0] =	ssyncset.done $0x0  }
0xba: {  	[sflag:s0] =	ssyncadd.s32 $0xFFFFEC00  }
0xbb: {  	s5 =	stileid.u32;
	[bflag:$0x0] =	sbarrier.arrive $0xFFFF  }
0xbc: {  	s5 =	sshll.u32 s5, $0x6;
	s6 =	rddreg [dreg:$0xa]  }
0xbd: {  	s5 =	sor.u32 $0x1C05, s5;
	s7 =	rddreg [dreg:$0xd]  }
0xbe: {  	[hbm:s6], [sflag:s5] =	dma.local [spmem:s7], $0x2700  }
0xbf: {  	_ =	swait.ge [sflag:s0], $0x2700  }
0xc0: {  	[sflag:s0] =	ssyncset.done $0x0  }
0xc1: {  	s6 =	rddreg [dreg:$0xb];
	[sflag:s0] =	ssyncadd.s32 $0xFFFFD900  }
0xc2: {  	[hbm:s6], [sflag:s5] =	dma.local @!p1 [spmem:s25], $0x100  }
0xc3: {  	s5 =	simm.s32 @!p1 $0x5  }
0xc4: {  	_ =	swait.ge @!p1 [sflag:s5], $0x100  }
0xc5: {  	s3 =	sadd.s32 $0x1, s3;
	s24 =	rddreg [dreg:$0xc]  }
0xc6: {  	p2 =	sne.s32 s3, s24  }
.Ltmp1:
0xc7: {  	_ = 	snop;
	(pc) =	sbr.rel @p2 .LBB2_1-.Ltmp1, $3  }
0xc8: {  	_ =	sdelay $0x1  }
0xc9: {  	[sflag:s5] =	ssyncset.done @!p1 $0x0  }
0xca: {  	[sflag:s5] =	ssyncadd.s32 @!p1 $0xFFFFFF00  }
0xcb: {  	_ =	sfence.sel $0x180000  }
0xcc: {  	[bflag:$0x0] =	sbarrier.arrive $0xFFFF  }
0xcd: {  	_ =	strace $0x9000004D  }
0xce: {  	[bflag:$0x2] =	sbarrier.arrive $0xFFFF  }
0xcf: {  	s0 =	rddreg [dreg:$0x2]  }
0xd0: {  	s0 =	sadd.s32 @!p0 $0x100000, s0  }
0xd1: {  	[sflag:s0] =	ssyncadd.tile.s32 @!p0 $0x1;
	_ =	shalt  }
.Lfunc_end2:
_tile_overlayer_lowered:
.L_overlay_start_2:
0xd2: {  	(tag) =	ssettag $0x2  }
0xd3: {  	s0 =	rddreg [dreg:$0x0];
	s2 =	stileid.u32  }
0xd4: {  	s1 =	rddreg [dreg:$0x1];
	p0 =	sne.s32 s2, $0x0  }
0xd5: {  	s3 =	rddreg [dreg:$0x2];
	[bflag:$0x3] =	sbarrier.arrive $0xFFFF;
	s2 =	simm.s32 @!p0 $0x1C05  }
0xd6: {  	[timem:s3], [sflag:s2] =	dma.local @!p0 [hbm:s0], s1  }
0xd7: {  	s0 =	simm.s32 @!p0 $0x5  }
0xd8: {  	_ =	swait.ge @!p0 [sflag:s0], s1  }
0xd9: {  	s1 =	ssub.s32 @!p0 $0x0, s1;
	[sflag:s0] =	ssyncset.done @!p0 $0x0  }
0xda: {  	[sflag:s0] =	ssyncadd.s32 @!p0 s1  }
0xdb: {  	[bflag:$0x3] =	sbarrier.arrive $0xFFFF  }
0xdc: {  	_ =	shalt  }

// kernel: kernel.14.cloned.1.call-start
scs
__scs_entry_jumppad:
0x0: {  	(pc) =	sbr.rel $0x88, $3  }
0x1: {  	(tag) =	ssettag $0x0;
	lr =	simm.s32 $0x1  }
0x2: {  	[smem:$0x3F97] =	sst lr;
	_ =	strace $0xD0000000  }
0x3: {  	_ = 	snop  }
0x4: {  	_ = 	snop  }
0x5: {  	_ = 	snop  }
0x6: {  	_ = 	snop  }
0x7: {  	_ = 	snop  }
__scs_overlays_trampoline_lowered:
0x8: {  	[smem:$0x3FA6] =	sst s0  }
0x9: {  	[smem:$0x3FA7] =	sst s1  }
0xa: {  	[smem:$0x3FA8] =	sst s2  }
0xb: {  	[smem:$0x3FA9] =	sst s3  }
0xc: {  	[smem:$0x3FAA] =	sst s4  }
0xd: {  	[smem:$0x3FAB] =	sst s5  }
0xe: {  	[smem:$0x3FAC] =	sst s6  }
0xf: {  	[smem:$0x3FAD] =	sst s7  }
0x10: {  	[smem:$0x3FAE] =	sst s8  }
0x11: {  	[smem:$0x3FAF] =	sst s9;
	s0 =	simm.s32 @!p0 $0x0  }
0x12: {  	s1 =	sld [smem:$0x3F95];
	s0 =	simm.s32 @p0 $0x1  }
0x13: {  	[smem:$0x3FB0] =	sst s0;
	s0 =	simm.s32 @!p1 $0x0  }
0x14: {  	s2 =	sld [smem:$0x3F94];
	s0 =	simm.s32 @p1 $0x1  }
0x15: {  	[smem:$0x3FB1] =	sst s0;
	s0 =	simm.s32 @!p2 $0x0  }
0x16: {  	s3 =	sld [smem:$0x3FDB];
	s0 =	simm.s32 @p2 $0x1  }
0x17: {  	s4 =	simm.s32 $0x1BF5;
	[smem:$0x3FB3] =	sst s0  }
0x18: {  	s0 =	sld [smem:$0x3F96];
	_ =	swait.ge [sflag:s4], $0x0  }
0x19: {  	s7 =	sld [smem:$0x3F97]  }
0x1a: {  	s8 =	sadd.s32 $0xFFFFE003, lr  }
0x1b: {  	s9 =	sadd.s32 $0xFFFFFEF7, lr;
	s5 =	simm.s32 $0xFFFFFFFF;
	p2 =	slt.u32 s8, $0xFFFFF086  }
0x1c: {  	p1 =	slt.u32 s9, $0xF7A;
	s5 =	simm.s32 @!p2 $0x0  }
0x1d: {  	s5 =	simm.s32 @p1 $0x1;
	p0 =	seq.s32 s7, s2  }
0x1e: {  	s7 =	smul.u32 @!p0 $0xF7A, s2;
	p2 =	seq.s32 @!p0 s5, $0x0  }
0x1f: {  	s9 =	smul.u32 $0xF7A, s1;
	s8 =	simm.s32 @!p0 $0x1BF5;
	p2 =	por !p2, p0  }
0x20: {  	[sflag:s8] =	ssyncset.s32 @!p0 $0xFFFFF086;
	s6 =	sadd.s32 @!p0 s3, s7;
	s7 =	simm.s32 @!p0 $0x108  }
0x21: {  	s3 =	sadd.s32 s3, s9;
	s6 =	sadd.s32 @!p0 $0x88, s6;
	s7 =	simm.s32 @p2 $0x1082  }
0x22: {  	[simem:s7], [sflag:s8] =	dma.local @!p0 [hbm:s6], $0xF7A  }
0x23: {  	s9 =	sor.u32 $0xD0000000, s2;
	s6 =	simm.s32 $0x108;
	_ =	swait.ge @!p0 [sflag:s8], $0x0  }
0x24: {  	s3 =	sadd.s32 $0x88, s3;
	s6 =	simm.s32 @!p1 $0x1082;
	[sflag:s4] =	ssyncset.s32 $0xFFFFF086  }
0x25: {  	[simem:s6], [sflag:s4] =	dma.local [hbm:s3], $0xF7A  }
0x26: {  	[smem:$0x3F97] =	sst s1;
	(tag) =	ssettag s2;
	_ =	strace s9  }
0x27: {  	s1 =	sld [smem:$0x3FA7]  }
0x28: {  	s2 =	sld [smem:$0x3FA8]  }
0x29: {  	s4 =	sld [smem:$0x3FAA]  }
0x2a: {  	p0 =	seq.s32 s5, $0x0;
	s5 =	sld [smem:$0x3FAB]  }
0x2b: {  	s6 =	sld [smem:$0x3FAC]  }
0x2c: {  	s7 =	sld [smem:$0x3FAD]  }
0x2d: {  	s3 =	simm.s32 $0x108;
	s8 =	sld [smem:$0x3FAE]  }
0x2e: {  	s3 =	simm.s32 @!p0 $0x1082;
	s9 =	sld [smem:$0x3FAF]  }
0x2f: {  	lr =	sadd.s32 s0, s3;
	s0 =	sld [smem:$0x3FA6]  }
0x30: {  	s3 =	sld [smem:$0x3FA9]  }
0x31: {  	[smem:$0x3FB2] =	sst s10  }
0x32: {  	s10 =	sld [smem:$0x3FB0];
	_ =	sdelay $0x3  }
0x33: {  	p0 =	seq.s32 s10, $0x1;
	s10 =	sld [smem:$0x3FB2];
	_ =	sdelay $0x3  }
0x34: {  	[smem:$0x3FB2] =	sst s10  }
0x35: {  	s10 =	sld [smem:$0x3FB1];
	_ =	sdelay $0x3  }
0x36: {  	p1 =	seq.s32 s10, $0x1;
	s10 =	sld [smem:$0x3FB2];
	_ =	sdelay $0x3  }
0x37: {  	[smem:$0x3FB2] =	sst s10  }
0x38: {  	s10 =	sld [smem:$0x3FB3]  }
0x39: {  	_ = 	snop;
	(pc) =	sbr.ind lr, $3  }
0x3a: {  	_ = 	snop  }
0x3b: {  	_ = 	snop  }
0x3c: {  	p2 =	seq.s32 s10, $0x1;
	s10 =	sld [smem:$0x3FB2]  }
0x3d: {  	_ =	shalt  }
0x3e: {  	_ =	shalt  }
0x3f: {  	_ =	shalt  }
0x40: {  	_ =	shalt  }
0x41: {  	_ =	shalt  }
0x42: {  	_ =	shalt  }
0x43: {  	_ =	shalt  }
0x44: {  	_ =	shalt  }
0x45: {  	_ =	shalt  }
0x46: {  	_ =	shalt  }
0x47: {  	_ =	shalt  }
0x48: {  	_ =	shalt  }
0x49: {  	_ =	shalt  }
0x4a: {  	_ =	shalt  }
0x4b: {  	_ =	shalt  }
0x4c: {  	_ =	shalt  }
0x4d: {  	_ =	shalt  }
0x4e: {  	_ =	shalt  }
0x4f: {  	_ =	shalt  }
0x50: {  	_ =	shalt  }
0x51: {  	_ =	shalt  }
0x52: {  	_ =	shalt  }
0x53: {  	_ =	shalt  }
0x54: {  	_ =	shalt  }
0x55: {  	_ =	shalt  }
0x56: {  	_ =	shalt  }
0x57: {  	_ =	shalt  }
0x58: {  	_ =	shalt  }
0x59: {  	_ =	shalt  }
0x5a: {  	_ =	shalt  }
0x5b: {  	_ =	shalt  }
0x5c: {  	_ =	shalt  }
0x5d: {  	_ =	shalt  }
0x5e: {  	_ =	shalt  }
0x5f: {  	_ =	shalt  }
0x60: {  	_ =	shalt  }
0x61: {  	_ =	shalt  }
0x62: {  	_ =	shalt  }
0x63: {  	_ =	shalt  }
0x64: {  	_ =	shalt  }
0x65: {  	_ =	shalt  }
0x66: {  	_ =	shalt  }
0x67: {  	_ =	shalt  }
0x68: {  	_ =	shalt  }
0x69: {  	_ =	shalt  }
0x6a: {  	_ =	shalt  }
0x6b: {  	_ =	shalt  }
0x6c: {  	_ =	shalt  }
0x6d: {  	_ =	shalt  }
0x6e: {  	_ =	shalt  }
0x6f: {  	_ =	shalt  }
0x70: {  	_ =	shalt  }
0x71: {  	_ =	shalt  }
0x72: {  	_ =	shalt  }
0x73: {  	_ =	shalt  }
0x74: {  	_ =	shalt  }
0x75: {  	_ =	shalt  }
0x76: {  	_ =	shalt  }
0x77: {  	_ =	shalt  }
0x78: {  	_ =	shalt  }
0x79: {  	_ =	shalt  }
0x7a: {  	_ =	shalt  }
0x7b: {  	_ =	shalt  }
0x7c: {  	_ =	shalt  }
0x7d: {  	_ =	shalt  }
0x7e: {  	_ =	shalt  }
0x7f: {  	_ =	shalt  }
0x80: {  	_ =	shalt  }
0x81: {  	_ =	shalt  }
0x82: {  	_ =	shalt  }
0x83: {  	_ =	shalt  }
0x84: {  	_ =	shalt  }
0x85: {  	_ =	shalt  }
0x86: {  	_ =	shalt  }
0x87: {  	_ =	shalt  }
.Lfunc_end0:
.L_simem_size_0:
called_computation.2_lowered:
.L_overlay_start_0:
0x88: {  	s2 =	sld [smem:$0x3FD9]  }
0x89: {  	s3 =	sld [smem:$0x3FFE];
	_ =	sdelay $0x1  }
0x8a: {  	s1 =	srdreg.scid  }
0x8b: {  	s0 =	sand.u32 $0x1, s1  }
0x8c: {  	s16 =	sshll.u32 s0, $0xA;
	s2 =	sadd.s32 s3, s2  }
0x8d: {  	s2 =	sadd.s32 s2, s16  }
0x8e: {  	[smem:$0x3FBE] =	sst s2  }
0x8f: {  	_ = 	snop  }
0x90: {  	(tm) =	ssettm $0x1  }
0x91: {  	s17 =	sld [smem:$0x3FFB];
	_ =	sdelay $0x3  }
0x92: {  	_ =	strace s17  }
0x93: {  	s2 =	sld [smem:$0x3FFC];
	_ =	sdelay $0x3  }
0x94: {  	_ =	strace s2  }
0x95: {  	s2 =	sld [smem:$0x3FFD];
	_ =	sdelay $0x3  }
0x96: {  	_ =	strace s2  }
0x97: {  	_ =	strace $0x8FFFFFFF  }
0x98: {  	s18 =	sld [smem:$0x3FDB];
	_ =	sdelay $0x1  }
0x99: {  	s19 =	simm.s32 $_scs_section_size  }
0x9a: {  	s4 =	simm.s32 $_size__tile_overlayer_lowered;
	s5 =	simm.s32 $_tile_overlayer_lowered  }
0x9b: {  	s22 =	simm.s32 $0x1BFF;
	s21 =	sshll.u32 s5, $0x1;
	s2 =	sadd.s32 s19, s18  }
0x9c: {  	s6 =	simm.s32 $0x0;
	s20 =	sshll.u32 s4, $0x1;
	s4 =	sadd.s32 s21, s2  }
0x9d: {  	[timem:s6], [sflag:s22] =	dma.local [hbm:s4], s20  }
0x9e: {  	_ =	swait.ge [sflag:s22], s20  }
0x9f: {  	s3 =	ssub.s32 $0x0, s20;
	[sflag:s22] =	ssyncset.done $0x0  }
0xa0: {  	[sflag:s22] =	ssyncadd.s32 s3;
	_ =	sdelay $0x1  }
0xa1: {  	s23 =	simm.s32 $0x1B8B  }
0xa2: {  	_ =	swait.ge [sflag:s23], $0x1  }
0xa3: {  	[sflag:s23] =	ssyncset.done $0x0  }
0xa4: {  	s25 =	simm.s32 $0x1B8E;
	s24 =	sld [smem:$0x3FFE];
	[sflag:s23] =	ssyncadd.s32 $0xFFFFFFFF  }
0xa5: {  	s26 =	simm.s32 $execute0_lowered;
	[smem:$0x3FD2] =	sst s25  }
0xa6: {  	s4 =	sshll.u32 s26, $0x1;
	_ =	strace $0x80000049;
	[dreg:$0x1] =	wrdreg $0xFFFFFFFF  }
0xa7: {  	s28 =	simm.s32 $_size_execute0_lowered;
	s2 =	sadd.s32 s2, s4;
	[dreg:$0x0] =	wrdreg $0x0  }
0xa8: {  	s4 =	sshll.u32 s28, $0x1;
	[dreg:$0x2] =	wrdreg s2  }
0xa9: {  	[dreg:$0x3] =	wrdreg s4  }
0xaa: {  	[dreg:$0x4] =	wrdreg $0xC0  }
0xab: {  	_ =	task [dreg:s6], $0x5FFFF  }
0xac: {  	[dreg:$0x1] =	wrdreg $0xFFFFFFFF  }
0xad: {  	[dreg:$0x0] =	wrdreg $0x60  }
0xae: {  	[dreg:$0x2] =	wrdreg s24  }
0xaf: {  	[dreg:$0x3] =	wrdreg $0x52000  }
0xb0: {  	[dreg:$0x4] =	wrdreg $0xA  }
0xb1: {  	_ =	task.clear_ibuf [dreg:s6], $0x5FFFF;
	_ =	strace $0x90000049  }
0xb2: {  	s29 =	simm.s32 $0xA;
	_ =	strace $0x8000004B  }
0xb3: {  	_ =	swait.ge [sflag:s29], $0x1  }
0xb4: {  	[sflag:s29] =	ssyncadd.s32 $0xFFFFFFFF  }
0xb5: {  	_ =	strace $0x9000004B  }
0xb6: {  	_ =	sfence  }
0xb7: {  	s30 =	sld [smem:$0x0];
	_ =	sdelay $0x2  }
0xb8: {  	s31 =	sshll.u32 s1, $0xD;
	s1 =	sshrl.u32 s1, $0x2  }
0xb9: {  	s3 =	sand.u32 $0x4000, s31;
	s1 =	sadd.s32 s1, s30  }
0xba: {  	s0 =	sor.u32 s3, s0;
	s1 =	sshll.u32 s1, $0x11  }
0xbb: {  	s0 =	sor.u32 s1, s0  }
0xbc: {  	s0 =	sadd.s32 $0x8F2B, s0  }
0xbd: {  	[sflag:s0] =	ssyncadd.remote.s32 $0x1  }
0xbe: {  	_ =	sfence.sel $0xFFFF  }
0xbf: {  	[dreg:$0x0] =	wrdreg $0xFFFFFFFF;
	(pc) =	sbr.abs _section_cstart, $3  }
0xc0: {  	[dreg:$0x1] =	wrdreg $0xFFFFFFFF  }
0xc1: {  	_ =	task.clear_ibuf [dreg:s6], $0x2FFFF;
	_ =	strace $0x9FFFFFFF  }
0xc2: {  	(tm) =	ssettm $0x7FFFFFFF  }
0xc3: {  	_ =	shalt  }
tec
execute0_lowered:
.L_overlay_start_1:
0x0: {  	(tag) =	ssettag $0x1  }
0x1: {  	s0 =	rddreg [dreg:$0x0]  }
0x2: {  	s1 =	rddreg [dreg:$0x1];
	s2 =	simm.s32 $0x0;
	s3 =	srdreg.scid  }
0x3: {  	s12 =	stileid.u32;
	s28 =	simm.s32 $0x5180;
	s29 =	simm.s32 $0x3D80  }
0x4: {  	s30 =	simm.s32 $0x1;
	s31 =	simm.s32 $0x28;
	[smem:$0x7FF] =	sst s2  }
0x5: {  	s3 =	sand.u32 $0x1, s3;
	s4 =	sshll.u32 s12, $0x1;
	s11 =	smul.u32 $0x13800, s12  }
0x6: {  	s6 =	sadd.s32 $0x2E600, s0;
	s8 =	sadd.s32 $0xC00, s0;
	s20 =	smul.u32 $0x4E000, s12  }
0x7: {  	p0 =	sne.s32 s12, $0x0;
	p1 =	sne.s32 s12, $0xF;
	_ =	strace $0x8000004A  }
0x8: {  	s5 =	sor.u32 s3, s4;
	s4 =	sadd.s32 $0x29600, s0;
	s21 =	smul.u32 $0x13880, s3  }
0x9: {  	[dreg:$0x3] =	wrdreg s8;
	s13 =	ssub.s32 $0x2, s3;
	s7 =	smul.u32 $0x1388, s5  }
0xa: {  	s0 =	sadd.s32 $0x29F600, s0;
	s9 =	sshrl.u32 s13, $0x1;
	s5 =	smul.u32 $0x13880, s5  }
0xb: {  	s22 =	sshrl.u32 s20, $0x2;
	s8 =	ssub.s32 s13, s9;
	s13 =	smul.u32 $0x138800, s3  }
0xc: {  	s20 =	simm.s32 $0x1400;
	s3 =	smul.u32 $0x1388, s3;
	s10 =	sshrl.u32 s7, $0x3  }
0xd: {  	s15 =	sadd.s32 $0x28, s7;
	s5 =	sadd.s32 s6, s5;
	s7 =	sadd.s32 $0x50, s7  }
0xe: {  	s8 =	smax.u32 s8, $0x1;
	s14 =	sadd.s32 s4, s10;
	[dreg:$0x5] =	wrdreg s5  }
0xf: {  	s16 =	sshrl.u32 s15, $0x3;
	s9 =	sshll.u32 s15, $0x4;
	s18 =	sshrl.u32 s7, $0x3  }
0x10: {  	s19 =	sadd.s32 s11, s13;
	s7 =	sshll.u32 s7, $0x4;
	[dreg:$0xc] =	wrdreg s8  }
0x11: {  	s23 =	sshrl.u32 s13, $0x3;
	[dreg:$0x4] =	wrdreg s14;
	s5 =	sadd.s32 s4, s16  }
0x12: {  	s17 =	sadd.s32 s6, s9;
	s14 =	smul.u32 $0x27100, s12;
	[dreg:$0x6] =	wrdreg s5  }
0x13: {  	s7 =	sadd.s32 s6, s7;
	s16 =	smul.u32 $0x2710, s12;
	[dreg:$0x7] =	wrdreg s17  }
0x14: {  	s5 =	sadd.s32 s4, s18;
	[dreg:$0x9] =	wrdreg s7;
	s7 =	sadd.s32 s22, s1  }
0x15: {  	s22 =	simm.s32 $0x1480;
	[dreg:$0x8] =	wrdreg s5;
	s5 =	sshrl.u32 s19, $0x3  }
0x16: {  	s6 =	sadd.s32 s14, s6;
	s3 =	sadd.s32 s3, s16;
	s26 =	sshrl.u32 s7, $0x3  }
0x17: {  	s5 =	sadd.s32 s0, s5;
	s0 =	sadd.s32 s0, s23;
	s15 =	sadd.s32 s21, s6  }
0x18: {  	s16 =	sadd.s32 $0xA0, s3;
	s24 =	sadd.s32 $0xC8, s3;
	s25 =	sadd.s32 $0xF0, s3  }
0x19: {  	s3 =	sadd.s32 $0x78, s3;
	s21 =	simm.s32 $0x2880;
	[dreg:$0xd] =	wrdreg s26  }
0x1a: {  	s23 =	simm.s32 $0x2;
	s26 =	simm.s32 $0x4;
	[dreg:$0xa] =	wrdreg s5  }
0x1b: {  	s0 =	sadd.s32 $0x27000, s0;
	s5 =	sshrl.u32 s24, $0x3;
	s6 =	sshrl.u32 s25, $0x3  }
0x1c: {  	s3 =	sshrl.u32 s3, $0x3;
	[dreg:$0xb] =	wrdreg s0;
	s0 =	sadd.s32 $0x138000, s1  }
0x1d: {  	s17 =	sadd.s32 s5, s4;
	s18 =	sadd.s32 s6, s4;
	s19 =	sadd.s32 s3, s4  }
0x1e: {  	s3 =	simm.s32 $0x0;
	s25 =	sshrl.u32 @!p1 s0, $0x3;
	s0 =	simm.s32 $0x5  }
.LBB2_1:
0x1f: {  	s5 =	sshrl.u32 @!p0 s1, $0x3;
	s6 =	simm.s32 @!p0 $0x1C05;
	s7 =	rddreg [dreg:$0x3]  }
0x20: {  	[spmem:s5], [sflag:s6] =	dma.local @!p0 [hbm:s7], $0x27100  }
0x21: {  	s5 =	simm.s32 @!p0 $0x5  }
0x22: {  	_ =	swait.ge @!p0 [sflag:s5], $0x27100  }
0x23: {  	[sflag:s5] =	ssyncset.done @!p0 $0x0  }
0x24: {  	[sflag:s5] =	ssyncadd.s32 @!p0 $0xFFFD8F00  }
0x25: {  	[bflag:$0x0] =	sbarrier.arrive $0xFFFF  }
0x26: {  	s24 =	rddreg [dreg:$0x4]  }
0x27: {  	[tilespmem:s20], [sflag:$0x1] =	stream.linear.gather [hbm4b:s24+s2], $0x28, $0x38;
	[tilespmem:$0x18A80] =	vst v63  }
0x28: {  	s6 =	rddreg [dreg:$0x5]  }
0x29: {  	[tilespmem:s2], [sflag:$0x1] =	stream.linear.gather [hbm4b:s6+s2], $0x1400, $0x38;
	[tilespmem:$0x18A80] =	vst v63  }
0x2a: {  	s7 =	rddreg [dreg:$0x6]  }
0x2b: {  	[tilespmem:s21], [sflag:$0x2] =	stream.linear.gather [hbm4b:s7+s2], $0x28, $0x38;
	[tilespmem:$0x18A80] =	vst v63  }
0x2c: {  	s8 =	rddreg [dreg:$0x7]  }
0x2d: {  	[tilespmem:s22], [sflag:$0x2] =	stream.linear.gather [hbm4b:s8+s2], $0x1400, $0x38;
	[tilespmem:$0x18A80] =	vst v63  }
0x2e: {  	s10 =	simm.s32 $0x3D00;
	s9 =	rddreg [dreg:$0x8]  }
0x2f: {  	[tilespmem:s10], [sflag:$0x3] =	stream.linear.gather [hbm4b:s9+s2], $0x28, $0x38;
	[tilespmem:$0x18A80] =	vst v63  }
0x30: {  	s12 =	simm.s32 $0x2900;
	s11 =	rddreg [dreg:$0x9]  }
0x31: {  	[tilespmem:s12], [sflag:$0x3] =	stream.linear.gather [hbm4b:s11+s2], $0x1400, $0x38;
	[tilespmem:$0x18A80] =	vst v63  }
0x32: {  	s13 =	sadd.s32 $0x0, s15  }
0x33: {  	[tilespmem:s28], [sflag:$0x4] =	stream.linear.gather [hbm4b:s19+s2], $0x28, $0x38;
	[tilespmem:$0x18A80] =	vst v63  }
0x34: {  	s14 =	sadd.s32 $0x780, s13  }
0x35: {  	[tilespmem:s29], [sflag:$0x4] =	stream.linear.gather [hbm4b:s14+s2], $0x1400, $0x38;
	[tilespmem:$0x18A80] =	vst v63  }
0x36: {  	_ =	swait.ge [sflag:s30], $0x28  }
0x37: {  	[sflag:s30] =	ssyncset.done $0x0  }
0x38: {  	[sflag:s30] =	ssyncadd.s32 $0xFFFFFFD8  }
0x39: {  	_ =	swait.ge [sflag:s30], $0x1400  }
0x3a: {  	[sflag:s30] =	ssyncset.done $0x0  }
0x3b: {  	[sflag:s30] =	ssyncadd.s32 $0xFFFFEC00  }
0x3c: {  	[spmem:s1] =	stream.indirect.scatter.add.f32 [tilespmem:s2], [sflag:$0x5], $0x80, s20, s31, $0xb8;
	[tilespmem:$0x18A80] =	vst v63  }
0x3d: {  	_ =	swait.ge [sflag:s0], $0x1400  }
0x3e: {  	s24 =	sshrl.u32 s16, $0x3;
	[sflag:s0] =	ssyncset.done $0x0  }
0x3f: {  	s6 =	sadd.s32 s4, s24;
	[sflag:s0] =	ssyncadd.s32 $0xFFFFEC00  }
0x40: {  	[tilespmem:s20], [sflag:$0x1] =	stream.linear.gather [hbm4b:s6+s2], $0x28, $0x38;
	[tilespmem:$0x18A80] =	vst v63  }
0x41: {  	s5 =	sadd.s32 $0xA00, s13  }
0x42: {  	[tilespmem:s2], [sflag:$0x1] =	stream.linear.gather [hbm4b:s5+s2], $0x1400, $0x38;
	[tilespmem:$0x18A80] =	vst v63  }
0x43: {  	_ =	swait.ge [sflag:s23], $0x28  }
0x44: {  	[sflag:s23] =	ssyncset.done $0x0  }
0x45: {  	[sflag:s23] =	ssyncadd.s32 $0xFFFFFFD8  }
0x46: {  	_ =	swait.ge [sflag:s23], $0x1400  }
0x47: {  	[sflag:s23] =	ssyncset.done $0x0  }
0x48: {  	[sflag:s23] =	ssyncadd.s32 $0xFFFFEC00  }
0x49: {  	[spmem:s1] =	stream.indirect.scatter.add.f32 [tilespmem:s22], [sflag:$0x5], $0x80, s21, s31, $0xb8;
	[tilespmem:$0x18A80] =	vst v63  }
0x4a: {  	_ =	swait.ge [sflag:s0], $0x1400  }
0x4b: {  	p2 =	por $0x0, $0x0;
	[sflag:s0] =	ssyncset.done $0x0  }
0x4c: {  	s5 =	simm.s32 @p2 $0x3;
	[sflag:s0] =	ssyncadd.s32 $0xFFFFEC00  }
0x4d: {  	_ =	swait.ge @p2 [sflag:s5], $0x28  }
0x4e: {  	[sflag:s5] =	ssyncset.done @p2 $0x0  }
0x4f: {  	[sflag:s5] =	ssyncadd.s32 @p2 $0xFFFFFFD8  }
0x50: {  	_ =	swait.ge @p2 [sflag:s5], $0x1400  }
0x51: {  	s7 =	simm.s32 @p2 $0x5;
	s8 =	simm.s32 @p2 $0x3D00;
	[sflag:s5] =	ssyncset.done @p2 $0x0  }
0x52: {  	s6 =	simm.s32 @p2 $0x2900;
	[sflag:s5] =	ssyncadd.s32 @p2 $0xFFFFEC00;
	s5 =	simm.s32 @p2 $0x28  }
0x53: {  	[spmem:s1] =	stream.indirect.scatter.add.f32 @p2 [tilespmem:s6], [sflag:$0x5], $0x80, s8, s5, $0xb8;
	[tilespmem:$0x18A80] =	vst v63  }
0x54: {  	_ =	swait.ge @p2 [sflag:s7], $0x1400  }
0x55: {  	s5 =	sadd.s32 @!p2 $0x0, s15;
	[sflag:s7] =	ssyncset.done @p2 $0x0  }
0x56: {  	s6 =	simm.s32 @!p2 $0x0;
	[sflag:s7] =	ssyncadd.s32 @p2 $0xFFFFEC00;
	s7 =	simm.s32 @!p2 $0x2880  }
0x57: {  	[tilespmem:s7], [sflag:$0x2] =	stream.linear.gather @!p2 [hbm4b:s17+s6], $0x28, $0x38;
	[tilespmem:$0x18A80] =	vst v63  }
0x58: {  	s9 =	simm.s32 @!p2 $0x3;
	s8 =	simm.s32 @!p2 $0x1480;
	s7 =	sadd.s32 @!p2 $0xC80, s5  }
0x59: {  	[tilespmem:s8], [sflag:$0x2] =	stream.linear.gather @!p2 [hbm4b:s7+s6], $0x1400, $0x38;
	[tilespmem:$0x18A80] =	vst v63  }
0x5a: {  	_ =	swait.ge @!p2 [sflag:s9], $0x28  }
0x5b: {  	[sflag:s9] =	ssyncset.done @!p2 $0x0  }
0x5c: {  	[sflag:s9] =	ssyncadd.s32 @!p2 $0xFFFFFFD8  }
0x5d: {  	_ =	swait.ge @!p2 [sflag:s9], $0x1400  }
0x5e: {  	s7 =	simm.s32 @!p2 $0x2900;
	[sflag:s9] =	ssyncset.done @!p2 $0x0  }
0x5f: {  	s8 =	simm.s32 @!p2 $0x28;
	[sflag:s9] =	ssyncadd.s32 @!p2 $0xFFFFEC00;
	s9 =	simm.s32 @!p2 $0x3D00  }
0x60: {  	[spmem:s1] =	stream.indirect.scatter.add.f32 @!p2 [tilespmem:s7], [sflag:$0x5], $0x80, s9, s8, $0xb8;
	[tilespmem:$0x18A80] =	vst v63  }
0x61: {  	s8 =	simm.s32 @!p2 $0x5  }
0x62: {  	_ =	swait.ge @!p2 [sflag:s8], $0x1400  }
0x63: {  	[sflag:s8] =	ssyncset.done @!p2 $0x0  }
0x64: {  	[sflag:s8] =	ssyncadd.s32 @!p2 $0xFFFFEC00  }
0x65: {  	[tilespmem:s9], [sflag:$0x3] =	stream.linear.gather @!p2 [hbm4b:s18+s6], $0x28, $0x38;
	[tilespmem:$0x18A80] =	vst v63  }
0x66: {  	s5 =	sadd.s32 @!p2 $0xF00, s5  }
0x67: {  	[tilespmem:s7], [sflag:$0x3] =	stream.linear.gather @!p2 [hbm4b:s5+s6], $0x1400, $0x38;
	[tilespmem:$0x18A80] =	vst v63  }
0x68: {  	_ =	swait.ge [sflag:s26], $0x28  }
0x69: {  	[sflag:s26] =	ssyncset.done $0x0  }
0x6a: {  	[sflag:s26] =	ssyncadd.s32 $0xFFFFFFD8  }
0x6b: {  	_ =	swait.ge [sflag:s26], $0x1400  }
0x6c: {  	[sflag:s26] =	ssyncset.done $0x0  }
0x6d: {  	s8 =	sadd.s32 $0xA0, s16;
	[sflag:s26] =	ssyncadd.s32 $0xFFFFEC00  }
0x6e: {  	[spmem:s1] =	stream.indirect.scatter.add.f32 [tilespmem:s29], [sflag:$0x5], $0x80, s28, s31, $0xb8;
	[tilespmem:$0x18A80] =	vst v63  }
0x6f: {  	s9 =	sadd.s32 $0x14, s17;
	s5 =	simm.s32 $0xA00;
	_ =	swait.ge [sflag:s0], $0x1400  }
0x70: {  	s6 =	sadd.s32 $0x14, s18;
	s7 =	sadd.s32 $0x14, s19;
	[sflag:s0] =	ssyncset.done $0x0  }
.LBB2_2:
0x71: {  	s10 =	sadd.s32 s5, s15  }
0x72: {  	[sflag:s0] =	ssyncadd.s32 $0xFFFFEC00;
	s11 =	smov.u32 s5;
	s5 =	sadd.s32 $0xA00, s5  }
0x73: {  	[tilespmem:s28], [sflag:$0x4] =	stream.linear.gather [hbm4b:s7+s2], $0x28, $0x38;
	[tilespmem:$0x18A80] =	vst v63  }
0x74: {  	s12 =	sadd.s32 $0x780, s10;
	p2 =	sne.s32 s5, $0x13600  }
0x75: {  	[tilespmem:s29], [sflag:$0x4] =	stream.linear.gather [hbm4b:s12+s2], $0x1400, $0x38;
	[tilespmem:$0x18A80] =	vst v63  }
0x76: {  	_ =	swait.ge [sflag:s30], $0x28  }
0x77: {  	[sflag:s30] =	ssyncset.done $0x0  }
0x78: {  	[sflag:s30] =	ssyncadd.s32 $0xFFFFFFD8  }
0x79: {  	_ =	swait.ge [sflag:s30], $0x1400  }
0x7a: {  	[sflag:s30] =	ssyncset.done $0x0  }
0x7b: {  	[sflag:s30] =	ssyncadd.s32 $0xFFFFEC00  }
0x7c: {  	[spmem:s1] =	stream.indirect.scatter.add.f32 [tilespmem:s2], [sflag:$0x5], $0x80, s20, s31, $0xb8;
	[tilespmem:$0x18A80] =	vst v63  }
0x7d: {  	_ =	swait.ge [sflag:s0], $0x1400  }
0x7e: {  	s12 =	sshrl.u32 s8, $0x3;
	[sflag:s0] =	ssyncset.done $0x0  }
0x7f: {  	s12 =	sadd.s32 s4, s12;
	[sflag:s0] =	ssyncadd.s32 $0xFFFFEC00  }
0x80: {  	[tilespmem:s20], [sflag:$0x1] =	stream.linear.gather [hbm4b:s12+s2], $0x28, $0x38;
	[tilespmem:$0x18A80] =	vst v63  }
0x81: {  	s10 =	sadd.s32 $0xA00, s10  }
0x82: {  	[tilespmem:s2], [sflag:$0x1] =	stream.linear.gather [hbm4b:s10+s2], $0x1400, $0x38;
	[tilespmem:$0x18A80] =	vst v63  }
0x83: {  	_ =	swait.ge [sflag:s23], $0x28  }
0x84: {  	[sflag:s23] =	ssyncset.done $0x0  }
0x85: {  	[sflag:s23] =	ssyncadd.s32 $0xFFFFFFD8  }
0x86: {  	_ =	swait.ge [sflag:s23], $0x1400  }
0x87: {  	[sflag:s23] =	ssyncset.done $0x0  }
0x88: {  	[sflag:s23] =	ssyncadd.s32 $0xFFFFEC00  }
0x89: {  	[spmem:s1] =	stream.indirect.scatter.add.f32 [tilespmem:s22], [sflag:$0x5], $0x80, s21, s31, $0xb8;
	[tilespmem:$0x18A80] =	vst v63  }
0x8a: {  	_ =	swait.ge [sflag:s0], $0x1400  }
0x8b: {  	p3 =	seq.s32 s11, $0x12C00;
	[sflag:s0] =	ssyncset.done $0x0  }
0x8c: {  	s11 =	sadd.s32 @!p3 s11, s15;
	s10 =	simm.s32 @p3 $0x3;
	[sflag:s0] =	ssyncadd.s32 $0xFFFFEC00  }
0x8d: {  	s12 =	sadd.s32 @!p3 $0xC80, s11;
	s11 =	sadd.s32 @!p3 $0xF00, s11;
	_ =	swait.ge @p3 [sflag:s10], $0x28  }
0x8e: {  	[sflag:s10] =	ssyncset.done @p3 $0x0  }
0x8f: {  	[sflag:s10] =	ssyncadd.s32 @p3 $0xFFFFFFD8  }
0x90: {  	_ =	swait.ge @p3 [sflag:s10], $0x1400  }
0x91: {  	s13 =	simm.s32 @p3 $0x2900;
	s14 =	simm.s32 @p3 $0x5;
	[sflag:s10] =	ssyncset.done @p3 $0x0  }
0x92: {  	s24 =	simm.s32 @p3 $0x3D00;
	[sflag:s10] =	ssyncadd.s32 @p3 $0xFFFFEC00;
	s10 =	simm.s32 @p3 $0x28  }
0x93: {  	[spmem:s1] =	stream.indirect.scatter.add.f32 @p3 [tilespmem:s13], [sflag:$0x5], $0x80, s24, s10, $0xb8;
	[tilespmem:$0x18A80] =	vst v63  }
0x94: {  	_ =	swait.ge @p3 [sflag:s14], $0x1400  }
0x95: {  	[sflag:s14] =	ssyncset.done @p3 $0x0  }
0x96: {  	s10 =	simm.s32 @!p3 $0x0;
	s13 =	simm.s32 @!p3 $0x2880;
	[sflag:s14] =	ssyncadd.s32 @p3 $0xFFFFEC00  }
0x97: {  	[tilespmem:s13], [sflag:$0x2] =	stream.linear.gather @!p3 [hbm4b:s9+s10], $0x28, $0x38;
	[tilespmem:$0x18A80] =	vst v63  }
0x98: {  	s14 =	simm.s32 @!p3 $0x3;
	s13 =	simm.s32 @!p3 $0x1480  }
0x99: {  	[tilespmem:s13], [sflag:$0x2] =	stream.linear.gather @!p3 [hbm4b:s12+s10], $0x1400, $0x38;
	[tilespmem:$0x18A80] =	vst v63  }
0x9a: {  	_ =	swait.ge @!p3 [sflag:s14], $0x28  }
0x9b: {  	[sflag:s14] =	ssyncset.done @!p3 $0x0  }
0x9c: {  	[sflag:s14] =	ssyncadd.s32 @!p3 $0xFFFFFFD8  }
0x9d: {  	_ =	swait.ge @!p3 [sflag:s14], $0x1400  }
0x9e: {  	s12 =	simm.s32 @!p3 $0x2900;
	s13 =	simm.s32 @!p3 $0x5;
	[sflag:s14] =	ssyncset.done @!p3 $0x0  }
0x9f: {  	s24 =	simm.s32 @!p3 $0x3D00;
	[sflag:s14] =	ssyncadd.s32 @!p3 $0xFFFFEC00;
	s14 =	simm.s32 @!p3 $0x28  }
0xa0: {  	[spmem:s1] =	stream.indirect.scatter.add.f32 @!p3 [tilespmem:s12], [sflag:$0x5], $0x80, s24, s14, $0xb8;
	[tilespmem:$0x18A80] =	vst v63  }
0xa1: {  	_ =	swait.ge @!p3 [sflag:s13], $0x1400  }
0xa2: {  	[sflag:s13] =	ssyncset.done @!p3 $0x0  }
0xa3: {  	[sflag:s13] =	ssyncadd.s32 @!p3 $0xFFFFEC00  }
0xa4: {  	[tilespmem:s24], [sflag:$0x3] =	stream.linear.gather @!p3 [hbm4b:s6+s10], $0x28, $0x38;
	[tilespmem:$0x18A80] =	vst v63  }
0xa5: {  	_ = 	snop  }
0xa6: {  	[tilespmem:s12], [sflag:$0x3] =	stream.linear.gather @!p3 [hbm4b:s11+s10], $0x1400, $0x38;
	[tilespmem:$0x18A80] =	vst v63  }
0xa7: {  	_ =	swait.ge [sflag:s26], $0x28  }
0xa8: {  	[sflag:s26] =	ssyncset.done $0x0  }
0xa9: {  	[sflag:s26] =	ssyncadd.s32 $0xFFFFFFD8  }
0xaa: {  	_ =	swait.ge [sflag:s26], $0x1400  }
.Ltmp0:
0xab: {  	[sflag:s26] =	ssyncset.done $0x0;
	(pc) =	sbr.rel @p2 .LBB2_2-.Ltmp0, $4  }
0xac: {  	[sflag:s26] =	ssyncadd.s32 $0xFFFFEC00  }
0xad: {  	[spmem:s1] =	stream.indirect.scatter.add.f32 [tilespmem:s29], [sflag:$0x5], $0x80, s28, s31, $0xb8;
	[tilespmem:$0x18A80] =	vst v63  }
0xae: {  	s7 =	sadd.s32 $0x14, s7;
	s6 =	sadd.s32 $0x14, s6;
	_ =	swait.ge [sflag:s0], $0x1400  }
0xaf: {  	s8 =	sadd.s32 $0xA0, s8;
	s9 =	sadd.s32 $0x14, s9;
	[sflag:s0] =	ssyncset.done $0x0  }
0xb0: {  	[sflag:s0] =	ssyncadd.s32 $0xFFFFEC00  }
0xb1: {  	_ =	swait.ge [sflag:s30], $0x28  }
0xb2: {  	[sflag:s30] =	ssyncset.done $0x0  }
0xb3: {  	[sflag:s30] =	ssyncadd.s32 $0xFFFFFFD8  }
0xb4: {  	_ =	swait.ge [sflag:s30], $0x1400  }
0xb5: {  	[sflag:s30] =	ssyncset.done $0x0  }
0xb6: {  	[sflag:s30] =	ssyncadd.s32 $0xFFFFEC00  }
0xb7: {  	[spmem:s1] =	stream.indirect.scatter.add.f32 [tilespmem:s2], [sflag:$0x5], $0x80, s20, s31, $0xb8;
	[tilespmem:$0x18A80] =	vst v63  }
0xb8: {  	_ =	swait.ge [sflag:s0], $0x1400  }
0xb9: {  	[sflag:s0] =	ssyncset.done $0x0  }
0xba: {  	[sflag:s0] =	ssyncadd.s32 $0xFFFFEC00  }
0xbb: {  	s5 =	stileid.u32;
	[bflag:$0x0] =	sbarrier.arrive $0xFFFF  }
0xbc: {  	s5 =	sshll.u32 s5, $0x6;
	s6 =	rddreg [dreg:$0xa]  }
0xbd: {  	s5 =	sor.u32 $0x1C05, s5;
	s7 =	rddreg [dreg:$0xd]  }
0xbe: {  	[hbm:s6], [sflag:s5] =	dma.local [spmem:s7], $0x2700  }
0xbf: {  	_ =	swait.ge [sflag:s0], $0x2700  }
0xc0: {  	[sflag:s0] =	ssyncset.done $0x0  }
0xc1: {  	s6 =	rddreg [dreg:$0xb];
	[sflag:s0] =	ssyncadd.s32 $0xFFFFD900  }
0xc2: {  	[hbm:s6], [sflag:s5] =	dma.local @!p1 [spmem:s25], $0x100  }
0xc3: {  	s5 =	simm.s32 @!p1 $0x5  }
0xc4: {  	_ =	swait.ge @!p1 [sflag:s5], $0x100  }
0xc5: {  	s3 =	sadd.s32 $0x1, s3;
	s24 =	rddreg [dreg:$0xc]  }
0xc6: {  	p2 =	sne.s32 s3, s24  }
.Ltmp1:
0xc7: {  	_ = 	snop;
	(pc) =	sbr.rel @p2 .LBB2_1-.Ltmp1, $3  }
0xc8: {  	_ =	sdelay $0x1  }
0xc9: {  	[sflag:s5] =	ssyncset.done @!p1 $0x0  }
0xca: {  	[sflag:s5] =	ssyncadd.s32 @!p1 $0xFFFFFF00  }
0xcb: {  	_ =	sfence.sel $0x180000  }
0xcc: {  	[bflag:$0x0] =	sbarrier.arrive $0xFFFF  }
0xcd: {  	_ =	strace $0x9000004A  }
0xce: {  	[bflag:$0x2] =	sbarrier.arrive $0xFFFF  }
0xcf: {  	s0 =	rddreg [dreg:$0x2]  }
0xd0: {  	s0 =	sadd.s32 @!p0 $0x100000, s0  }
0xd1: {  	[sflag:s0] =	ssyncadd.tile.s32 @!p0 $0x1;
	_ =	shalt  }
.Lfunc_end2:
_tile_overlayer_lowered:
.L_overlay_start_2:
0xd2: {  	(tag) =	ssettag $0x2  }
0xd3: {  	s0 =	rddreg [dreg:$0x0];
	s2 =	stileid.u32  }
0xd4: {  	s1 =	rddreg [dreg:$0x1];
	p0 =	sne.s32 s2, $0x0  }
0xd5: {  	s3 =	rddreg [dreg:$0x2];
	[bflag:$0x3] =	sbarrier.arrive $0xFFFF;
	s2 =	simm.s32 @!p0 $0x1C05  }
0xd6: {  	[timem:s3], [sflag:s2] =	dma.local @!p0 [hbm:s0], s1  }
0xd7: {  	s0 =	simm.s32 @!p0 $0x5  }
0xd8: {  	_ =	swait.ge @!p0 [sflag:s0], s1  }
0xd9: {  	s1 =	ssub.s32 @!p0 $0x0, s1;
	[sflag:s0] =	ssyncset.done @!p0 $0x0  }
0xda: {  	[sflag:s0] =	ssyncadd.s32 @!p0 s1  }
0xdb: {  	[bflag:$0x3] =	sbarrier.arrive $0xFFFF  }
0xdc: {  	_ =	shalt  }

// kernel: kernel.8.cloned.1.call-start
scs
__scs_entry_jumppad:
0x0: {  	(pc) =	sbr.rel $0x88, $3  }
0x1: {  	(tag) =	ssettag $0x0;
	lr =	simm.s32 $0x1  }
0x2: {  	[smem:$0x3F97] =	sst lr;
	_ =	strace $0xD0000000  }
0x3: {  	_ = 	snop  }
0x4: {  	_ = 	snop  }
0x5: {  	_ = 	snop  }
0x6: {  	_ = 	snop  }
0x7: {  	_ = 	snop  }
__scs_overlays_trampoline_lowered:
0x8: {  	[smem:$0x3FA6] =	sst s0  }
0x9: {  	[smem:$0x3FA7] =	sst s1  }
0xa: {  	[smem:$0x3FA8] =	sst s2  }
0xb: {  	[smem:$0x3FA9] =	sst s3  }
0xc: {  	[smem:$0x3FAA] =	sst s4  }
0xd: {  	[smem:$0x3FAB] =	sst s5  }
0xe: {  	[smem:$0x3FAC] =	sst s6  }
0xf: {  	[smem:$0x3FAD] =	sst s7  }
0x10: {  	[smem:$0x3FAE] =	sst s8  }
0x11: {  	[smem:$0x3FAF] =	sst s9;
	s0 =	simm.s32 @!p0 $0x0  }
0x12: {  	s1 =	sld [smem:$0x3F95];
	s0 =	simm.s32 @p0 $0x1  }
0x13: {  	[smem:$0x3FB0] =	sst s0;
	s0 =	simm.s32 @!p1 $0x0  }
0x14: {  	s2 =	sld [smem:$0x3F94];
	s0 =	simm.s32 @p1 $0x1  }
0x15: {  	[smem:$0x3FB1] =	sst s0;
	s0 =	simm.s32 @!p2 $0x0  }
0x16: {  	s3 =	sld [smem:$0x3FDB];
	s0 =	simm.s32 @p2 $0x1  }
0x17: {  	s4 =	simm.s32 $0x1BF5;
	[smem:$0x3FB3] =	sst s0  }
0x18: {  	s0 =	sld [smem:$0x3F96];
	_ =	swait.ge [sflag:s4], $0x0  }
0x19: {  	s7 =	sld [smem:$0x3F97]  }
0x1a: {  	s8 =	sadd.s32 $0xFFFFE003, lr  }
0x1b: {  	s9 =	sadd.s32 $0xFFFFFEF7, lr;
	s5 =	simm.s32 $0xFFFFFFFF;
	p2 =	slt.u32 s8, $0xFFFFF086  }
0x1c: {  	p1 =	slt.u32 s9, $0xF7A;
	s5 =	simm.s32 @!p2 $0x0  }
0x1d: {  	s5 =	simm.s32 @p1 $0x1;
	p0 =	seq.s32 s7, s2  }
0x1e: {  	s7 =	smul.u32 @!p0 $0xF7A, s2;
	p2 =	seq.s32 @!p0 s5, $0x0  }
0x1f: {  	s9 =	smul.u32 $0xF7A, s1;
	s8 =	simm.s32 @!p0 $0x1BF5;
	p2 =	por !p2, p0  }
0x20: {  	[sflag:s8] =	ssyncset.s32 @!p0 $0xFFFFF086;
	s6 =	sadd.s32 @!p0 s3, s7;
	s7 =	simm.s32 @!p0 $0x108  }
0x21: {  	s3 =	sadd.s32 s3, s9;
	s6 =	sadd.s32 @!p0 $0x88, s6;
	s7 =	simm.s32 @p2 $0x1082  }
0x22: {  	[simem:s7], [sflag:s8] =	dma.local @!p0 [hbm:s6], $0xF7A  }
0x23: {  	s9 =	sor.u32 $0xD0000000, s2;
	s6 =	simm.s32 $0x108;
	_ =	swait.ge @!p0 [sflag:s8], $0x0  }
0x24: {  	s3 =	sadd.s32 $0x88, s3;
	s6 =	simm.s32 @!p1 $0x1082;
	[sflag:s4] =	ssyncset.s32 $0xFFFFF086  }
0x25: {  	[simem:s6], [sflag:s4] =	dma.local [hbm:s3], $0xF7A  }
0x26: {  	[smem:$0x3F97] =	sst s1;
	(tag) =	ssettag s2;
	_ =	strace s9  }
0x27: {  	s1 =	sld [smem:$0x3FA7]  }
0x28: {  	s2 =	sld [smem:$0x3FA8]  }
0x29: {  	s4 =	sld [smem:$0x3FAA]  }
0x2a: {  	p0 =	seq.s32 s5, $0x0;
	s5 =	sld [smem:$0x3FAB]  }
0x2b: {  	s6 =	sld [smem:$0x3FAC]  }
0x2c: {  	s7 =	sld [smem:$0x3FAD]  }
0x2d: {  	s3 =	simm.s32 $0x108;
	s8 =	sld [smem:$0x3FAE]  }
0x2e: {  	s3 =	simm.s32 @!p0 $0x1082;
	s9 =	sld [smem:$0x3FAF]  }
0x2f: {  	lr =	sadd.s32 s0, s3;
	s0 =	sld [smem:$0x3FA6]  }
0x30: {  	s3 =	sld [smem:$0x3FA9]  }
0x31: {  	[smem:$0x3FB2] =	sst s10  }
0x32: {  	s10 =	sld [smem:$0x3FB0];
	_ =	sdelay $0x3  }
0x33: {  	p0 =	seq.s32 s10, $0x1;
	s10 =	sld [smem:$0x3FB2];
	_ =	sdelay $0x3  }
0x34: {  	[smem:$0x3FB2] =	sst s10  }
0x35: {  	s10 =	sld [smem:$0x3FB1];
	_ =	sdelay $0x3  }
0x36: {  	p1 =	seq.s32 s10, $0x1;
	s10 =	sld [smem:$0x3FB2];
	_ =	sdelay $0x3  }
0x37: {  	[smem:$0x3FB2] =	sst s10  }
0x38: {  	s10 =	sld [smem:$0x3FB3]  }
0x39: {  	_ = 	snop;
	(pc) =	sbr.ind lr, $3  }
0x3a: {  	_ = 	snop  }
0x3b: {  	_ = 	snop  }
0x3c: {  	p2 =	seq.s32 s10, $0x1;
	s10 =	sld [smem:$0x3FB2]  }
0x3d: {  	_ =	shalt  }
0x3e: {  	_ =	shalt  }
0x3f: {  	_ =	shalt  }
0x40: {  	_ =	shalt  }
0x41: {  	_ =	shalt  }
0x42: {  	_ =	shalt  }
0x43: {  	_ =	shalt  }
0x44: {  	_ =	shalt  }
0x45: {  	_ =	shalt  }
0x46: {  	_ =	shalt  }
0x47: {  	_ =	shalt  }
0x48: {  	_ =	shalt  }
0x49: {  	_ =	shalt  }
0x4a: {  	_ =	shalt  }
0x4b: {  	_ =	shalt  }
0x4c: {  	_ =	shalt  }
0x4d: {  	_ =	shalt  }
0x4e: {  	_ =	shalt  }
0x4f: {  	_ =	shalt  }
0x50: {  	_ =	shalt  }
0x51: {  	_ =	shalt  }
0x52: {  	_ =	shalt  }
0x53: {  	_ =	shalt  }
0x54: {  	_ =	shalt  }
0x55: {  	_ =	shalt  }
0x56: {  	_ =	shalt  }
0x57: {  	_ =	shalt  }
0x58: {  	_ =	shalt  }
0x59: {  	_ =	shalt  }
0x5a: {  	_ =	shalt  }
0x5b: {  	_ =	shalt  }
0x5c: {  	_ =	shalt  }
0x5d: {  	_ =	shalt  }
0x5e: {  	_ =	shalt  }
0x5f: {  	_ =	shalt  }
0x60: {  	_ =	shalt  }
0x61: {  	_ =	shalt  }
0x62: {  	_ =	shalt  }
0x63: {  	_ =	shalt  }
0x64: {  	_ =	shalt  }
0x65: {  	_ =	shalt  }
0x66: {  	_ =	shalt  }
0x67: {  	_ =	shalt  }
0x68: {  	_ =	shalt  }
0x69: {  	_ =	shalt  }
0x6a: {  	_ =	shalt  }
0x6b: {  	_ =	shalt  }
0x6c: {  	_ =	shalt  }
0x6d: {  	_ =	shalt  }
0x6e: {  	_ =	shalt  }
0x6f: {  	_ =	shalt  }
0x70: {  	_ =	shalt  }
0x71: {  	_ =	shalt  }
0x72: {  	_ =	shalt  }
0x73: {  	_ =	shalt  }
0x74: {  	_ =	shalt  }
0x75: {  	_ =	shalt  }
0x76: {  	_ =	shalt  }
0x77: {  	_ =	shalt  }
0x78: {  	_ =	shalt  }
0x79: {  	_ =	shalt  }
0x7a: {  	_ =	shalt  }
0x7b: {  	_ =	shalt  }
0x7c: {  	_ =	shalt  }
0x7d: {  	_ =	shalt  }
0x7e: {  	_ =	shalt  }
0x7f: {  	_ =	shalt  }
0x80: {  	_ =	shalt  }
0x81: {  	_ =	shalt  }
0x82: {  	_ =	shalt  }
0x83: {  	_ =	shalt  }
0x84: {  	_ =	shalt  }
0x85: {  	_ =	shalt  }
0x86: {  	_ =	shalt  }
0x87: {  	_ =	shalt  }
.Lfunc_end0:
.L_simem_size_0:
called_computation_lowered:
.L_overlay_start_0:
0x88: {  	s2 =	sld [smem:$0x3FD9]  }
0x89: {  	s3 =	sld [smem:$0x3FFE];
	_ =	sdelay $0x1  }
0x8a: {  	s1 =	srdreg.scid  }
0x8b: {  	s0 =	sand.u32 $0x1, s1  }
0x8c: {  	s17 =	sshll.u32 s0, $0xA;
	s2 =	sadd.s32 s3, s2  }
0x8d: {  	s2 =	sadd.s32 s2, s17  }
0x8e: {  	[smem:$0x3FBE] =	sst s2  }
0x8f: {  	_ = 	snop  }
0x90: {  	s2 =	sld [smem:$0x3FC9];
	(tm) =	ssettm $0x1  }
0x91: {  	s18 =	sld [smem:$0x3FFB];
	_ =	sdelay $0x3  }
0x92: {  	_ =	strace s18  }
0x93: {  	s3 =	sld [smem:$0x3FFC];
	_ =	sdelay $0x3  }
0x94: {  	_ =	strace s3  }
0x95: {  	s3 =	sld [smem:$0x3FFD];
	_ =	sdelay $0x3  }
0x96: {  	_ =	strace s3  }
0x97: {  	_ =	strace $0x8FFFFFFF  }
0x98: {  	s19 =	sld [smem:$0x3FDB];
	_ =	sdelay $0x1  }
0x99: {  	s4 =	simm.s32 $_scs_section_size  }
0x9a: {  	s5 =	simm.s32 $_size__tile_overlayer_lowered;
	s6 =	simm.s32 $_tile_overlayer_lowered  }
0x9b: {  	s22 =	simm.s32 $0x1BFF;
	s21 =	sshll.u32 s6, $0x1;
	s3 =	sadd.s32 s4, s19  }
0x9c: {  	s7 =	simm.s32 $0x0;
	s20 =	sshll.u32 s5, $0x1;
	s5 =	sadd.s32 s21, s3  }
0x9d: {  	[timem:s7], [sflag:s22] =	dma.local [hbm:s5], s20  }
0x9e: {  	_ =	swait.ge [sflag:s22], s20  }
0x9f: {  	s4 =	ssub.s32 $0x0, s20;
	[sflag:s22] =	ssyncset.done $0x0  }
0xa0: {  	[sflag:s22] =	ssyncadd.s32 s4;
	_ =	sdelay $0x1  }
0xa1: {  	s23 =	simm.s32 $0x1B8B  }
0xa2: {  	_ =	swait.ge [sflag:s23], $0x1  }
0xa3: {  	[sflag:s23] =	ssyncset.done $0x0  }
0xa4: {  	s25 =	simm.s32 $0x1B8E;
	s24 =	sld [smem:$0x3FFE];
	[sflag:s23] =	ssyncadd.s32 $0xFFFFFFFF  }
0xa5: {  	s26 =	simm.s32 $execute0_lowered;
	[smem:$0x3FD2] =	sst s25  }
0xa6: {  	s5 =	sshll.u32 s26, $0x1;
	_ =	strace $0x80000046;
	[dreg:$0x1] =	wrdreg $0xFFFFFFFF  }
0xa7: {  	s28 =	simm.s32 $_size_execute0_lowered;
	s3 =	sadd.s32 s3, s5;
	[dreg:$0x0] =	wrdreg $0x0  }
0xa8: {  	s5 =	sshll.u32 s28, $0x1;
	[dreg:$0x2] =	wrdreg s3  }
0xa9: {  	[dreg:$0x3] =	wrdreg s5  }
0xaa: {  	[dreg:$0x4] =	wrdreg $0xC0  }
0xab: {  	_ =	task [dreg:s7], $0x5FFFF  }
0xac: {  	[dreg:$0x1] =	wrdreg $0xFFFFFFFF  }
0xad: {  	[dreg:$0x0] =	wrdreg $0x60  }
0xae: {  	[dreg:$0x2] =	wrdreg s24  }
0xaf: {  	[dreg:$0x3] =	wrdreg s2  }
0xb0: {  	[dreg:$0x4] =	wrdreg $0x9  }
0xb1: {  	_ =	task.clear_ibuf [dreg:s7], $0x5FFFF;
	_ =	strace $0x90000046  }
0xb2: {  	s29 =	simm.s32 $0x9;
	_ =	strace $0x80000048  }
0xb3: {  	_ =	swait.ge [sflag:s29], $0x1  }
0xb4: {  	[sflag:s29] =	ssyncadd.s32 $0xFFFFFFFF  }
0xb5: {  	_ =	strace $0x90000048  }
0xb6: {  	_ =	sfence  }
0xb7: {  	s30 =	sld [smem:$0x0];
	_ =	sdelay $0x2  }
0xb8: {  	s31 =	sshll.u32 s1, $0xD;
	s1 =	sshrl.u32 s1, $0x2  }
0xb9: {  	s3 =	sand.u32 $0x4000, s31;
	s1 =	sadd.s32 s1, s30  }
0xba: {  	s0 =	sor.u32 s3, s0;
	s1 =	sshll.u32 s1, $0x11  }
0xbb: {  	s0 =	sor.u32 s1, s0  }
0xbc: {  	s0 =	sadd.s32 $0x8F2B, s0  }
0xbd: {  	[sflag:s0] =	ssyncadd.remote.s32 $0x1  }
0xbe: {  	_ =	sfence.sel $0xFFFF  }
0xbf: {  	[dreg:$0x0] =	wrdreg $0xFFFFFFFF;
	(pc) =	sbr.abs _section_cstart, $3  }
0xc0: {  	[dreg:$0x1] =	wrdreg $0xFFFFFFFF  }
0xc1: {  	_ =	task.clear_ibuf [dreg:s7], $0x2FFFF;
	_ =	strace $0x9FFFFFFF  }
0xc2: {  	(tm) =	ssettm $0x7FFFFFFF  }
0xc3: {  	_ =	shalt  }
tec
execute0_lowered:
.L_overlay_start_1:
0x0: {  	(tag) =	ssettag $0x1  }
0x1: {  	s10 =	rddreg [dreg:$0x0]  }
0x2: {  	s1 =	rddreg [dreg:$0x1]  }
0x3: {  	s0 =	rddreg [dreg:$0x2];
	s2 =	simm.s32 $0x0;
	s4 =	srdreg.scid  }
0x4: {  	s15 =	simm.s32 $0x4F00;
	s16 =	simm.s32 $0x7680;
	s17 =	simm.s32 $0x9E00  }
0x5: {  	s18 =	simm.s32 $0xA600;
	s19 =	simm.s32 $0xAE00;
	s20 =	simm.s32 $0xB600  }
0x6: {  	s21 =	simm.s32 $0x0;
	[smem:$0x7FF] =	sst s2;
	s3 =	sadd.s32 $0x15400, s10  }
0x7: {  	s5 =	sadd.s32 $0x14E00, s10;
	s6 =	sadd.s32 $0x14800, s10;
	s11 =	sand.u32 $0x1, s4  }
0x8: {  	s7 =	sadd.s32 $0xAA00, s10;
	s4 =	stileid.u32;
	s8 =	sadd.s32 $0xC00, s10  }
0x9: {  	s9 =	sadd.s32 $0x15A00, s10;
	s10 =	sadd.s32 $0x1F800, s10;
	s12 =	ssub.s32 $0x2, s11  }
0xa: {  	_ =	strace $0x80000047;
	s14 =	sshll.u32 s4, $0x1;
	s13 =	sshrl.u32 s12, $0x1  }
0xb: {  	s11 =	sor.u32 s11, s14;
	s14 =	simm.s32 $0x2780;
	s12 =	ssub.s32 s12, s13  }
0xc: {  	s11 =	smul.u32 $0x2710, s11;
	s13 =	simm.s32 $0x1;
	s12 =	smax.u32 s12, $0x1  }
.LBB2_1:
0xd: {  	[tilespmem:s2], [sflag:$0x1] =	stream.linear.gather [hbm4b:s3+s2], $0x2780, $0x38;
	[tilespmem:$0xBE00] =	vst v63  }
0xe: {  	_ =	swait.ge [sflag:s13], $0x2780  }
0xf: {  	[sflag:s13] =	ssyncset.done $0x0  }
0x10: {  	[sflag:s13] =	ssyncadd.s32 $0xFFFFD880  }
0x11: {  	[tilespmem:s14], [sflag:$0x1] =	stream.linear.gather [hbm4b:s5+s2], $0x2780, $0x38;
	[tilespmem:$0xBE00] =	vst v63  }
0x12: {  	_ =	swait.ge [sflag:s13], $0x2780  }
0x13: {  	[sflag:s13] =	ssyncset.done $0x0  }
0x14: {  	[sflag:s13] =	ssyncadd.s32 $0xFFFFD880  }
0x15: {  	[tilespmem:s15], [sflag:$0x1] =	stream.linear.gather [hbm4b:s6+s2], $0x2780, $0x38;
	[tilespmem:$0xBE00] =	vst v63  }
0x16: {  	_ =	swait.ge [sflag:s13], $0x2780  }
0x17: {  	[sflag:s13] =	ssyncset.done $0x0  }
0x18: {  	[sflag:s13] =	ssyncadd.s32 $0xFFFFD880  }
0x19: {  	[tilespmem:s16], [sflag:$0x1] =	stream.linear.gather [hbm4b:s1+s2], $0x2780, $0x38;
	[tilespmem:$0xBE00] =	vst v63  }
0x1a: {  	_ =	swait.ge [sflag:s13], $0x2780  }
0x1b: {  	[sflag:s13] =	ssyncset.done $0x0  }
0x1c: {  	s22 =	simm.s32 $0x0;
	[sflag:s13] =	ssyncadd.s32 $0xFFFFD880  }
.LBB2_2:
0x1d: {  	s23 =	smul.u32 $0x7D0, s22;
	_ =	sdelay $0x1  }
0x1e: {  	s23 =	sadd.s32 s11, s23  }
0x1f: {  	s23 =	sshrl.u32 s23, $0x3  }
0x20: {  	s25 =	simm.s32 $0x0;
	s24 =	sadd.s32 s7, s23  }
0x21: {  	[tilespmem:s17], [sflag:$0x1] =	stream.linear.gather [hbm4b:s24+s25], $0x7D0, $0x38;
	[tilespmem:$0xBE00] =	vst v63  }
0x22: {  	_ =	swait.ge [sflag:s13], $0x7D0  }
0x23: {  	[sflag:s13] =	ssyncset.done $0x0  }
0x24: {  	s31 =	sadd.s32 s8, s23;
	[sflag:s13] =	ssyncadd.s32 $0xFFFFF830  }
0x25: {  	[tilespmem:s18], [sflag:$0x1] =	stream.linear.gather [hbm4b:s31+s25], $0x7D0, $0x38;
	[tilespmem:$0xBE00] =	vst v63  }
0x26: {  	_ =	swait.ge [sflag:s13], $0x7D0  }
0x27: {  	[sflag:s13] =	ssyncset.done $0x0  }
0x28: {  	s24 =	simm.s32 $0x0;
	[sflag:s13] =	ssyncadd.s32 $0xFFFFF830  }
0x29: {  	v0 =	vld [tilespmem:s24+$0x9E00];
	_ =	sdelay $0x1  }
0x2a: {  	v1 =	vld [tilespmem:s24+$0xA600];
	_ =	sdelay $0x5  }
0x2b: {  	v2 =	vld.idx.msk [tilespmem:v0+s14+$0x0], $0xffff  }
0x2c: {  	v3 =	vld.idx.msk [tilespmem:v0+s2+$0x0], $0xffff  }
0x2d: {  	v4 =	vld.idx.msk [tilespmem:v1+s2+$0x0], $0xffff  }
0x2e: {  	v5 =	vld.idx.msk [tilespmem:v1+s14+$0x0], $0xffff  }
0x2f: {  	v6 =	vld.idx.msk [tilespmem:v0+s15+$0x0], $0xffff  }
0x30: {  	v1 =	vld.idx.msk [tilespmem:v1+s15+$0x0], $0xffff;
	_ =	sdelay $0x2  }
0x31: {  	v3 =	vsub.f32 v3, v4;
	v2 =	vsub.f32 v2, v5;
	_ =	sdelay $0x1  }
0x32: {  	v1 =	vsub.f32 v6, v1;
	v3 =	vmul.f32 v3, v3;
	v2 =	vmul.f32 v2, v2;
	_ =	sdelay $0x1  }
0x33: {  	v1 =	vmul.f32 v1, v1;
	v2 =	vadd.f32 v2, v3;
	_ =	sdelay $0x1  }
0x34: {  	v1 =	vadd.f32 v1, v2  }
0x35: {  	v2 =	vld [tilespmem:s24+$0xA610]  }
0x36: {  	[tilespmem:s24+$0xAE00] =	vst v1;
	v1 =	vld [tilespmem:s24+$0x9E10]  }
0x37: {  	v0 =	vld.idx.msk [tilespmem:v0+s16+$0x0], $0xffff;
	_ =	sdelay $0x4  }
0x38: {  	[tilespmem:s24+$0xB600] =	vst v0  }
0x39: {  	v3 =	vld.idx.msk [tilespmem:v2+s2+$0x0], $0xffff  }
0x3a: {  	v4 =	vld.idx.msk [tilespmem:v2+s14+$0x0], $0xffff  }
0x3b: {  	v0 =	vld.idx.msk [tilespmem:v1+s2+$0x0], $0xffff  }
0x3c: {  	v5 =	vld.idx.msk [tilespmem:v1+s14+$0x0], $0xffff  }
0x3d: {  	v2 =	vld.idx.msk [tilespmem:v2+s15+$0x0], $0xffff  }
0x3e: {  	v6 =	vld.idx.msk [tilespmem:v1+s15+$0x0], $0xffff;
	_ =	sdelay $0x2  }
0x3f: {  	v0 =	vsub.f32 v0, v3;
	v3 =	vsub.f32 v5, v4;
	_ =	sdelay $0x1  }
0x40: {  	v2 =	vsub.f32 v6, v2;
	v0 =	vmul.f32 v0, v0;
	v3 =	vmul.f32 v3, v3;
	_ =	sdelay $0x1  }
0x41: {  	v2 =	vmul.f32 v2, v2;
	v0 =	vadd.f32 v3, v0;
	_ =	sdelay $0x1  }
0x42: {  	v0 =	vadd.f32 v2, v0  }
0x43: {  	v3 =	vld [tilespmem:s24+$0x9E20]  }
0x44: {  	v2 =	vld [tilespmem:s24+$0xA620];
	[tilespmem:s24+$0xAE10] =	vst v0  }
0x45: {  	v0 =	vld.idx.msk [tilespmem:v1+s16+$0x0], $0xffff;
	_ =	sdelay $0x4  }
0x46: {  	[tilespmem:s24+$0xB610] =	vst v0  }
0x47: {  	v0 =	vld.idx.msk [tilespmem:v3+s2+$0x0], $0xffff  }
0x48: {  	v1 =	vld.idx.msk [tilespmem:v2+s2+$0x0], $0xffff  }
0x49: {  	v4 =	vld.idx.msk [tilespmem:v3+s14+$0x0], $0xffff  }
0x4a: {  	v5 =	vld.idx.msk [tilespmem:v2+s14+$0x0], $0xffff  }
0x4b: {  	v2 =	vld.idx.msk [tilespmem:v2+s15+$0x0], $0xffff  }
0x4c: {  	v6 =	vld.idx.msk [tilespmem:v3+s15+$0x0], $0xffff;
	_ =	sdelay $0x2  }
0x4d: {  	v0 =	vsub.f32 v0, v1;
	v1 =	vsub.f32 v4, v5;
	_ =	sdelay $0x1  }
0x4e: {  	v2 =	vsub.f32 v6, v2;
	v0 =	vmul.f32 v0, v0;
	v1 =	vmul.f32 v1, v1;
	_ =	sdelay $0x1  }
0x4f: {  	v0 =	vadd.f32 v1, v0;
	v1 =	vmul.f32 v2, v2;
	_ =	sdelay $0x1  }
0x50: {  	v0 =	vadd.f32 v1, v0  }
0x51: {  	v4 =	vld [tilespmem:s24+$0xA630]  }
0x52: {  	[tilespmem:s24+$0xAE20] =	vst v0;
	v0 =	vld [tilespmem:s24+$0x9E30]  }
0x53: {  	v1 =	vld.idx.msk [tilespmem:v3+s16+$0x0], $0xffff;
	_ =	sdelay $0x4  }
0x54: {  	[tilespmem:s24+$0xB620] =	vst v1  }
0x55: {  	v6 =	vld.idx.msk [tilespmem:v4+s2+$0x0], $0xffff  }
0x56: {  	v3 =	vld.idx.msk [tilespmem:v4+s14+$0x0], $0xffff  }
0x57: {  	v5 =	vld.idx.msk [tilespmem:v0+s2+$0x0], $0xffff  }
0x58: {  	v1 =	vld.idx.msk [tilespmem:v0+s14+$0x0], $0xffff  }
0x59: {  	v4 =	vld.idx.msk [tilespmem:v4+s15+$0x0], $0xffff  }
0x5a: {  	v2 =	vld.idx.msk [tilespmem:v0+s15+$0x0], $0xffff;
	_ =	sdelay $0x1  }
0x5b: {  	s25 =	simm.s32 $0x100;
	v5 =	vsub.f32 v5, v6  }
.LBB2_3:
0x5c: {  	p0 =	sne.s32 s25, $0x1E00;
	v1 =	vsub.f32 v1, v3;
	s26 =	smov.u32 s25;
	s25 =	sadd.s32 $0x100, s25  }
0x5d: {  	_ = 	snop  }
0x5e: {  	v3 =	vmul.f32 v5, v5;
	v2 =	vsub.f32 v2, v4;
	v1 =	vmul.f32 v1, v1;
	_ =	sdelay $0x1  }
0x5f: {  	v1 =	vadd.f32 v1, v3;
	v2 =	vmul.f32 v2, v2;
	_ =	sdelay $0x1  }
0x60: {  	s26 =	sshra.s32 s26, $0x2;
	v1 =	vadd.f32 v2, v1  }
0x61: {  	v2 =	vld [tilespmem:s26+$0x9E00]  }
0x62: {  	[tilespmem:s24+$0xAE30] =	vst v1  }
0x63: {  	v0 =	vld.idx.msk [tilespmem:v0+s16+$0x0], $0xffff;
	_ =	sdelay $0x1  }
0x64: {  	v1 =	vld [tilespmem:s26+$0xA600];
	_ =	sdelay $0x3  }
0x65: {  	[tilespmem:s24+$0xB630] =	vst v0;
	s24 =	smov.u32 s26  }
0x66: {  	v0 =	vld.idx.msk [tilespmem:v2+s15+$0x0], $0xffff  }
0x67: {  	v3 =	vld.idx.msk [tilespmem:v2+s14+$0x0], $0xffff  }
0x68: {  	v4 =	vld.idx.msk [tilespmem:v2+s2+$0x0], $0xffff  }
0x69: {  	v5 =	vld.idx.msk [tilespmem:v1+s2+$0x0], $0xffff  }
0x6a: {  	v6 =	vld.idx.msk [tilespmem:v1+s14+$0x0], $0xffff  }
0x6b: {  	v1 =	vld.idx.msk [tilespmem:v1+s15+$0x0], $0xffff;
	_ =	sdelay $0x3  }
0x6c: {  	v4 =	vsub.f32 v4, v5  }
0x6d: {  	v3 =	vsub.f32 v3, v6  }
0x6e: {  	v0 =	vsub.f32 v0, v1  }
0x6f: {  	v1 =	vmul.f32 v4, v4;
	v3 =	vmul.f32 v3, v3  }
0x70: {  	v0 =	vmul.f32 v0, v0  }
0x71: {  	v1 =	vadd.f32 v3, v1;
	_ =	sdelay $0x1  }
0x72: {  	v0 =	vadd.f32 v0, v1  }
0x73: {  	v1 =	vld [tilespmem:s24+$0xA610]  }
0x74: {  	[tilespmem:s24+$0xAE00] =	vst v0;
	v0 =	vld [tilespmem:s24+$0x9E10]  }
0x75: {  	v2 =	vld.idx.msk [tilespmem:v2+s16+$0x0], $0xffff;
	_ =	sdelay $0x5  }
0x76: {  	[tilespmem:s24+$0xB600] =	vst v2  }
0x77: {  	v2 =	vld.idx.msk [tilespmem:v0+s2+$0x0], $0xffff  }
0x78: {  	v3 =	vld.idx.msk [tilespmem:v1+s2+$0x0], $0xffff;
	_ =	sdelay $0x1  }
0x79: {  	v4 =	vld.idx.msk [tilespmem:v1+s14+$0x0], $0xffff  }
0x7a: {  	v5 =	vld.idx.msk [tilespmem:v0+s14+$0x0], $0xffff  }
0x7b: {  	v1 =	vld.idx.msk [tilespmem:v1+s15+$0x0], $0xffff  }
0x7c: {  	v6 =	vld.idx.msk [tilespmem:v0+s15+$0x0], $0xffff  }
0x7d: {  	v2 =	vsub.f32 v2, v3;
	_ =	sdelay $0x2  }
0x7e: {  	v3 =	vsub.f32 v5, v4;
	_ =	sdelay $0x1  }
0x7f: {  	v2 =	vmul.f32 v2, v2;
	v1 =	vsub.f32 v6, v1;
	v3 =	vmul.f32 v3, v3;
	_ =	sdelay $0x1  }
0x80: {  	v2 =	vadd.f32 v3, v2;
	v1 =	vmul.f32 v1, v1;
	_ =	sdelay $0x1  }
0x81: {  	v1 =	vadd.f32 v1, v2  }
0x82: {  	v2 =	vld [tilespmem:s24+$0xA620]  }
0x83: {  	[tilespmem:s24+$0xAE10] =	vst v1;
	v1 =	vld [tilespmem:s24+$0x9E20]  }
0x84: {  	v0 =	vld.idx.msk [tilespmem:v0+s16+$0x0], $0xffff;
	_ =	sdelay $0x5  }
0x85: {  	[tilespmem:s24+$0xB610] =	vst v0  }
0x86: {  	v0 =	vld.idx.msk [tilespmem:v1+s2+$0x0], $0xffff  }
0x87: {  	v3 =	vld.idx.msk [tilespmem:v2+s2+$0x0], $0xffff  }
0x88: {  	v4 =	vld.idx.msk [tilespmem:v1+s14+$0x0], $0xffff  }
0x89: {  	v5 =	vld.idx.msk [tilespmem:v2+s14+$0x0], $0xffff  }
0x8a: {  	v2 =	vld.idx.msk [tilespmem:v2+s15+$0x0], $0xffff  }
0x8b: {  	v6 =	vld.idx.msk [tilespmem:v1+s15+$0x0], $0xffff;
	_ =	sdelay $0x1  }
0x8c: {  	v0 =	vsub.f32 v0, v3;
	_ =	sdelay $0x1  }
0x8d: {  	v3 =	vsub.f32 v4, v5;
	_ =	sdelay $0x1  }
0x8e: {  	v0 =	vmul.f32 v0, v0;
	v2 =	vsub.f32 v6, v2;
	v3 =	vmul.f32 v3, v3;
	_ =	sdelay $0x1  }
0x8f: {  	v0 =	vadd.f32 v3, v0;
	v2 =	vmul.f32 v2, v2;
	_ =	sdelay $0x1  }
0x90: {  	v0 =	vadd.f32 v2, v0  }
0x91: {  	v4 =	vld [tilespmem:s24+$0xA630]  }
0x92: {  	[tilespmem:s24+$0xAE20] =	vst v0;
	v0 =	vld [tilespmem:s24+$0x9E30]  }
0x93: {  	v1 =	vld.idx.msk [tilespmem:v1+s16+$0x0], $0xffff;
	_ =	sdelay $0x5  }
0x94: {  	[tilespmem:s24+$0xB620] =	vst v1  }
0x95: {  	v5 =	vld.idx.msk [tilespmem:v0+s2+$0x0], $0xffff  }
0x96: {  	v6 =	vld.idx.msk [tilespmem:v4+s2+$0x0], $0xffff  }
0x97: {  	v1 =	vld.idx.msk [tilespmem:v0+s14+$0x0], $0xffff  }
.Ltmp0:
0x98: {  	v3 =	vld.idx.msk [tilespmem:v4+s14+$0x0], $0xffff;
	(pc) =	sbr.rel @p0 .LBB2_3-.Ltmp0, $3  }
0x99: {  	v2 =	vld.idx.msk [tilespmem:v0+s15+$0x0], $0xffff  }
0x9a: {  	v4 =	vld.idx.msk [tilespmem:v4+s15+$0x0], $0xffff;
	_ =	sdelay $0x1  }
0x9b: {  	v5 =	vsub.f32 v5, v6  }
0x9c: {  	v1 =	vsub.f32 v1, v3;
	_ =	sdelay $0x1  }
0x9d: {  	v63 =	vmul.f32 v5, v5;
	v2 =	vsub.f32 v2, v4;
	v1 =	vmul.f32 v1, v1;
	_ =	sdelay $0x1  }
0x9e: {  	v1 =	vadd.f32 v1, v63;
	v2 =	vmul.f32 v2, v2;
	_ =	sdelay $0x1  }
0x9f: {  	v1 =	vadd.f32 v2, v1;
	_ =	sdelay $0x1  }
0xa0: {  	[tilespmem:s24+$0xAE30] =	vst v1  }
0xa1: {  	v0 =	vld.idx.msk [tilespmem:v0+s16+$0x0], $0xffff;
	_ =	sdelay $0x4  }
0xa2: {  	s30 =	sadd.s32 s9, s23;
	[tilespmem:s24+$0xB630] =	vst v0  }
0xa3: {  	[hbm4b:s30+s2] =	stream.linear.scatter [tilespmem:s19], [sflag:$0x1], $0x7D0, $0x38;
	[tilespmem:$0xBE00] =	vst v63  }
0xa4: {  	s22 =	sadd.s32 $0x1, s22;
	_ =	swait.ge [sflag:s13], $0x7D0  }
0xa5: {  	p0 =	sne.s32 s22, $0x5;
	[sflag:s13] =	ssyncset.done $0x0  }
.Ltmp1:
0xa6: {  	s31 =	sadd.s32 s10, s23;
	[sflag:s13] =	ssyncadd.s32 $0xFFFFF830;
	(pc) =	sbr.rel @p0 .LBB2_2-.Ltmp1, $4  }
0xa7: {  	[hbm4b:s31+s2] =	stream.linear.scatter [tilespmem:s20], [sflag:$0x1], $0x7D0, $0x38;
	[tilespmem:$0xBE00] =	vst v63  }
0xa8: {  	_ =	swait.ge [sflag:s13], $0x7D0  }
0xa9: {  	[sflag:s13] =	ssyncset.done $0x0  }
0xaa: {  	[sflag:s13] =	ssyncadd.s32 $0xFFFFF830  }
0xab: {  	s21 =	sadd.s32 $0x1, s21  }
0xac: {  	p0 =	sne.s32 s21, s12  }
.Ltmp2:
0xad: {  	_ = 	snop;
	(pc) =	sbr.rel @p0 .LBB2_1-.Ltmp2, $1  }
0xae: {  	_ =	sdelay $0x3  }
0xaf: {  	_ =	sfence.sel $0x180000  }
0xb0: {  	[bflag:$0x0] =	sbarrier.arrive $0xFFFF  }
0xb1: {  	p0 =	sne.s32 s4, $0x0;
	_ =	strace $0x90000047  }
0xb2: {  	s0 =	sadd.s32 @!p0 $0x100000, s0;
	[bflag:$0x2] =	sbarrier.arrive $0xFFFF  }
0xb3: {  	[sflag:s0] =	ssyncadd.tile.s32 @!p0 $0x1;
	_ =	shalt  }
.Lfunc_end2:
_tile_overlayer_lowered:
.L_overlay_start_2:
0xb4: {  	(tag) =	ssettag $0x2  }
0xb5: {  	s0 =	rddreg [dreg:$0x0];
	s2 =	stileid.u32  }
0xb6: {  	s1 =	rddreg [dreg:$0x1];
	p0 =	sne.s32 s2, $0x0  }
0xb7: {  	s3 =	rddreg [dreg:$0x2];
	[bflag:$0x3] =	sbarrier.arrive $0xFFFF;
	s2 =	simm.s32 @!p0 $0x1C01  }
0xb8: {  	[timem:s3], [sflag:s2] =	dma.local @!p0 [hbm:s0], s1  }
0xb9: {  	s0 =	simm.s32 @!p0 $0x1  }
0xba: {  	_ =	swait.ge @!p0 [sflag:s0], s1  }
0xbb: {  	s1 =	ssub.s32 @!p0 $0x0, s1;
	[sflag:s0] =	ssyncset.done @!p0 $0x0  }
0xbc: {  	[sflag:s0] =	ssyncadd.s32 @!p0 s1  }
0xbd: {  	[bflag:$0x3] =	sbarrier.arrive $0xFFFF  }
0xbe: {  	_ =	shalt  }

</sc_bundles>
